<compile_context>
chip_gen: v7x
topology: tpu7x:2x2x1
jax: 0.10.2.dev20260603
libtpu: 0.0.44.dev20260713+nightly
codegen_flags: <defaults>
</compile_context>

<pallas_src>
import functools

import jax
import jax.numpy as jnp
from jax import lax
from jax.experimental import pallas as pl
from jax.experimental.pallas import tpu as pltpu
from jax.experimental.pallas import tpu_sc as plsc

D = 768
L = 16
NC, NS = 2, 16
NW = NC * NS
CHUNK = 32


def _embed_body(word_hbm, pos_hbm, wi_hbm, pi_hbm, out_hbm,
                idxw_v, idxp_v, bufw0, bufw1, bufp0, bufp1,
                semw0, semw1, semp0, semp1, semst0, semst1):
    wid = lax.axis_index("s") * NC + lax.axis_index("c")
    rows_per_w = out_hbm.shape[0] // NW
    n_chunks = rows_per_w // CHUNK
    base = wid * rows_per_w

    bufw = (bufw0, bufw1)
    bufp = (bufp0, bufp1)
    semw = (semw0, semw1)
    semp = (semp0, semp1)
    semst = (semst0, semst1)

    pltpu.sync_copy(wi_hbm.at[pl.ds(base, rows_per_w)], idxw_v)
    pltpu.sync_copy(pi_hbm.at[pl.ds(base, rows_per_w)], idxp_v)

    def widx(k):
        return idxw_v.at[pl.ds(k * CHUNK, CHUNK)]

    def pidx(k):
        return idxp_v.at[pl.ds(k * CHUNK, CHUNK)]

    def fire_gathers(k, slot):
        pltpu.async_copy(word_hbm.at[widx(k)], bufw[slot], semw[slot])
        pltpu.async_copy(pos_hbm.at[pidx(k)], bufp[slot], semp[slot])

    fire_gathers(0, 0)

    for g in range(n_chunks):
        s = g % 2
        o = 1 - s
        pltpu.make_async_copy(word_hbm.at[widx(g)], bufw[s], semw[s]).wait()
        pltpu.make_async_copy(pos_hbm.at[pidx(g)], bufp[s], semp[s]).wait()
        if g >= 1:
            pltpu.make_async_copy(
                bufw[o], out_hbm.at[pl.ds(base + (g - 1) * CHUNK, CHUNK)],
                semst[o]).wait()
        if g + 1 < n_chunks:
            fire_gathers(g + 1, o)

        @functools.partial(plsc.parallel_loop, 0, CHUNK, unroll=2)
        def _(r, s=s):
            for c in range(D // L):
                sl = pl.ds(c * L, L)
                bufw[s][r, sl] = bufw[s][r, sl] + bufp[s][r, sl]

        pltpu.async_copy(bufw[s], out_hbm.at[pl.ds(base + g * CHUNK, CHUNK)],
                         semst[s])

    s_last = (n_chunks - 1) % 2
    pltpu.make_async_copy(
        bufw[s_last],
        out_hbm.at[pl.ds(base + (n_chunks - 1) * CHUNK, CHUNK)],
        semst[s_last]).wait()


@functools.partial(jax.jit, static_argnums=())
def _embed(word_embeddings, position_embeddings, wi, pi):
    n = wi.shape[0]
    rows_per_w = n // NW
    mesh = plsc.VectorSubcoreMesh(core_axis_name="c", subcore_axis_name="s",
                                  num_cores=NC, num_subcores=NS)
    return pl.kernel(
        _embed_body,
        out_type=jax.ShapeDtypeStruct((n, D), jnp.float32),
        mesh=mesh,
        scratch_types=(
            [pltpu.VMEM((rows_per_w,), jnp.int32)] * 2
            + [pltpu.VMEM((CHUNK, D), jnp.float32)] * 4
            + [pltpu.SemaphoreType.DMA] * 6
        ),
    )(word_embeddings, position_embeddings, wi, pi)


def kernel(input_ids, position_ids, word_embeddings, position_embeddings):
    B, S = input_ids.shape
    wi = input_ids.reshape(-1).astype(jnp.int32)
    pi = position_ids.reshape(-1).astype(jnp.int32)
    out = _embed(word_embeddings, position_embeddings, wi, pi)
    return out.reshape(B, S, D)

# --- scband reference (transcript-rebuilt; emitter-appended) ---
"""Pipeline reference for scband-optembeddings-59124519796945 (READ-ONLY COPY).

The authoritative reference and input builder live on the scoring server;
editing this copy changes nothing except your own understanding.
"""

import jax, jax.numpy as jnp
import numpy as np

VOCAB = 50272
POS_VOCAB = 2048 + 1 + 1  # max_target_positions + pad + 1
D_IN = 768
D_MODEL = 768
B, S = 4, 2048


def setup_inputs(seed: int = 0) -> dict:
    key = jax.random.key(seed)
    k1, k2, k3, k4 = jax.random.split(key, 4)
    input_ids = jax.random.randint(k1, (B, S), 0, VOCAB)
    position_ids = jax.random.randint(k2, (B, S), 0, POS_VOCAB)
    # learned parameters (flax nn.Embed default init ~ normal(stddev=1.0); use scaled normal)
    word_embeddings = jax.random.normal(k3, (VOCAB, D_IN), dtype=jnp.float32) * 0.02
    position_embeddings = jax.random.normal(k4, (POS_VOCAB, D_MODEL), dtype=jnp.float32) * 0.02
    return {
        "input_ids": input_ids,
        "position_ids": position_ids,
        "word_embeddings": word_embeddings,
        "position_embeddings": position_embeddings,
    }


def reference(input_ids, position_ids, word_embeddings, position_embeddings):
    # embed_scale = 1.0 because no_scale_embedding=True
    embed_scale = 1.0
    inputs_embeds = embed_scale * jnp.take(word_embeddings, input_ids.astype(jnp.int32), axis=0)
    # project_in_dim is None since decoder_input_dim == decoder_embed_dim
    position_embeds = jnp.take(position_embeddings, position_ids.astype(jnp.int32), axis=0)
    hidden_states = inputs_embeds + position_embeds
    return hidden_states

if __name__ == "__main__":
    import jax
    _d = setup_inputs()
    print(jax.jit(kernel)(*tuple(_d.values())))

</pallas_src>

<mosaic_0001>
#map = affine_map<(d0, d1) -> (0, 0)>
#map1 = affine_map<(d0, d1) -> (0)>
module attributes {stable_mosaic.version = 14 : i64} {
  func.func @_embed_body(%arg0: i32, %arg1: i32, %arg2: memref<50272x768xf32, #tpu.memory_space<hbm>>, %arg3: memref<2050x768xf32, #tpu.memory_space<hbm>>, %arg4: memref<8192xi32, #tpu.memory_space<hbm>>, %arg5: memref<8192xi32, #tpu.memory_space<hbm>>, %arg6: memref<8192x768xf32, #tpu.memory_space<hbm>>, %arg7: memref<256xi32, #tpu.memory_space<vmem>>, %arg8: memref<256xi32, #tpu.memory_space<vmem>>, %arg9: memref<32x768xf32, #tpu.memory_space<vmem>>, %arg10: memref<32x768xf32, #tpu.memory_space<vmem>>, %arg11: memref<32x768xf32, #tpu.memory_space<vmem>>, %arg12: memref<32x768xf32, #tpu.memory_space<vmem>>, %arg13: memref<!tpu.dma_semaphore, #tpu.memory_space<semaphore_mem>>, %arg14: memref<!tpu.dma_semaphore, #tpu.memory_space<semaphore_mem>>, %arg15: memref<!tpu.dma_semaphore, #tpu.memory_space<semaphore_mem>>, %arg16: memref<!tpu.dma_semaphore, #tpu.memory_space<semaphore_mem>>, %arg17: memref<!tpu.dma_semaphore, #tpu.memory_space<semaphore_mem>>, %arg18: memref<!tpu.dma_semaphore, #tpu.memory_space<semaphore_mem>>) attributes {dimension_semantics = [#tpu.dimension_semantics<core_parallel>, #tpu.dimension_semantics<subcore_parallel>], iteration_bounds = array<i64: 2, 16>, scalar_prefetch = 0 : i64, scratch_operands = 12 : i64, tpu.core_type = #tpu.core_type<sc_vector_subcore>, window_params = [{transform_indices = #map}, {transform_indices = #map}, {transform_indices = #map1}, {transform_indices = #map1}, {transform_indices = #map}]} {
    %mul3A = arith.constant 2 : i32
    %mul3A_0 = arith.muli %arg1, %mul3A : i32
    %add3A = arith.addi %mul3A_0, %arg0 : i32
    %mul3A_1 = arith.constant 256 : i32
    %mul3A_2 = arith.muli %add3A, %mul3A_1 : i32
    "tpu.region"() ({
      %run_scoped3A = tpu.sem_alloc : memref<!tpu.dma_semaphore, #tpu.memory_space<semaphore_mem>>
      %dma_start3A_257 = tpu.memref_slice %arg4[%mul3A_2] : memref<8192xi32, #tpu.memory_space<hbm>> -> memref<256xi32, #tpu.memory_space<hbm>>
      %dma_start3A_258 = tpu.memref_slice %arg4[%mul3A_2] : memref<8192xi32, #tpu.memory_space<hbm>> -> memref<256xi32, #tpu.memory_space<hbm>>
      tpu.enqueue_dma source(%dma_start3A_258 : memref<256xi32, #tpu.memory_space<hbm>>) target(%arg7 : memref<256xi32, #tpu.memory_space<vmem>>) target_semaphore(%run_scoped3A : memref<!tpu.dma_semaphore, #tpu.memory_space<semaphore_mem>>)
      %dma_wait3A_259 = tpu.memref_slice %arg4[%mul3A_2] : memref<8192xi32, #tpu.memory_space<hbm>> -> memref<256xi32, #tpu.memory_space<hbm>>
      %dma_wait3A_260 = tpu.memref_slice %arg4[%mul3A_2] : memref<8192xi32, #tpu.memory_space<hbm>> -> memref<256xi32, #tpu.memory_space<hbm>>
      tpu.wait_dma2 semaphore(%run_scoped3A : memref<!tpu.dma_semaphore, #tpu.memory_space<semaphore_mem>>) src(%dma_wait3A_260 : memref<256xi32, #tpu.memory_space<hbm>>) dst(%arg7 : memref<256xi32, #tpu.memory_space<vmem>>)
      tpu.yield
    }) : () -> ()
    "tpu.region"() ({
      %run_scoped3A = tpu.sem_alloc : memref<!tpu.dma_semaphore, #tpu.memory_space<semaphore_mem>>
      %dma_start3A_257 = tpu.memref_slice %arg5[%mul3A_2] : memref<8192xi32, #tpu.memory_space<hbm>> -> memref<256xi32, #tpu.memory_space<hbm>>
      %dma_start3A_258 = tpu.memref_slice %arg5[%mul3A_2] : memref<8192xi32, #tpu.memory_space<hbm>> -> memref<256xi32, #tpu.memory_space<hbm>>
      tpu.enqueue_dma source(%dma_start3A_258 : memref<256xi32, #tpu.memory_space<hbm>>) target(%arg8 : memref<256xi32, #tpu.memory_space<vmem>>) target_semaphore(%run_scoped3A : memref<!tpu.dma_semaphore, #tpu.memory_space<semaphore_mem>>)
      %dma_wait3A_259 = tpu.memref_slice %arg5[%mul3A_2] : memref<8192xi32, #tpu.memory_space<hbm>> -> memref<256xi32, #tpu.memory_space<hbm>>
      %dma_wait3A_260 = tpu.memref_slice %arg5[%mul3A_2] : memref<8192xi32, #tpu.memory_space<hbm>> -> memref<256xi32, #tpu.memory_space<hbm>>
      tpu.wait_dma2 semaphore(%run_scoped3A : memref<!tpu.dma_semaphore, #tpu.memory_space<semaphore_mem>>) src(%dma_wait3A_260 : memref<256xi32, #tpu.memory_space<hbm>>) dst(%arg8 : memref<256xi32, #tpu.memory_space<vmem>>)
      tpu.yield
    }) : () -> ()
    %dma_start3A = arith.constant 0 : i32
    %dma_start3A_3 = tpu.memref_slice %arg7[%dma_start3A] : memref<256xi32, #tpu.memory_space<vmem>> -> memref<32xi32, #tpu.memory_space<vmem>>
    %dma_start3A_4 = arith.constant 0 : i32
    %dma_start3A_5 = arith.constant 0 : i32
    %dma_start3A_6 = tpu.memref_slice %arg2[%dma_start3A_4, %dma_start3A_5] : memref<50272x768xf32, #tpu.memory_space<hbm>> -> memref<50272x768xf32, #tpu.memory_space<hbm>>
    tpu.enqueue_indirect_dma source(%dma_start3A_6 : memref<50272x768xf32, #tpu.memory_space<hbm>>) target(%arg9 : memref<32x768xf32, #tpu.memory_space<vmem>>) offsets(%dma_start3A_3 : memref<32xi32, #tpu.memory_space<vmem>>) semaphore(%arg13 : memref<!tpu.dma_semaphore, #tpu.memory_space<semaphore_mem>>)
    %dma_start3A_7 = arith.constant 0 : i32
    %dma_start3A_8 = tpu.memref_slice %arg8[%dma_start3A_7] : memref<256xi32, #tpu.memory_space<vmem>> -> memref<32xi32, #tpu.memory_space<vmem>>
    %dma_start3A_9 = arith.constant 0 : i32
    %dma_start3A_10 = arith.constant 0 : i32
    %dma_start3A_11 = tpu.memref_slice %arg3[%dma_start3A_9, %dma_start3A_10] : memref<2050x768xf32, #tpu.memory_space<hbm>> -> memref<2050x768xf32, #tpu.memory_space<hbm>>
    tpu.enqueue_indirect_dma source(%dma_start3A_11 : memref<2050x768xf32, #tpu.memory_space<hbm>>) target(%arg11 : memref<32x768xf32, #tpu.memory_space<vmem>>) offsets(%dma_start3A_8 : memref<32xi32, #tpu.memory_space<vmem>>) semaphore(%arg15 : memref<!tpu.dma_semaphore, #tpu.memory_space<semaphore_mem>>)
    %dma_wait3A = arith.constant 0 : i32
    %dma_wait3A_12 = tpu.memref_slice %arg7[%dma_wait3A] : memref<256xi32, #tpu.memory_space<vmem>> -> memref<32xi32, #tpu.memory_space<vmem>>
    %dma_wait3A_13 = arith.constant 0 : i32
    %dma_wait3A_14 = arith.constant 0 : i32
    %dma_wait3A_15 = tpu.memref_slice %arg2[%dma_wait3A_13, %dma_wait3A_14] : memref<50272x768xf32, #tpu.memory_space<hbm>> -> memref<50272x768xf32, #tpu.memory_space<hbm>>
    tpu.wait_indirect_dma semaphore(%arg13 : memref<!tpu.dma_semaphore, #tpu.memory_space<semaphore_mem>>) src(%dma_wait3A_15 : memref<50272x768xf32, #tpu.memory_space<hbm>>) dst(%arg9 : memref<32x768xf32, #tpu.memory_space<vmem>>)
    %dma_wait3A_16 = arith.constant 0 : i32
    %dma_wait3A_17 = tpu.memref_slice %arg8[%dma_wait3A_16] : memref<256xi32, #tpu.memory_space<vmem>> -> memref<32xi32, #tpu.memory_space<vmem>>
    %dma_wait3A_18 = arith.constant 0 : i32
    %dma_wait3A_19 = arith.constant 0 : i32
    %dma_wait3A_20 = tpu.memref_slice %arg3[%dma_wait3A_18, %dma_wait3A_19] : memref<2050x768xf32, #tpu.memory_space<hbm>> -> memref<2050x768xf32, #tpu.memory_space<hbm>>
    tpu.wait_indirect_dma semaphore(%arg15 : memref<!tpu.dma_semaphore, #tpu.memory_space<semaphore_mem>>) src(%dma_wait3A_20 : memref<2050x768xf32, #tpu.memory_space<hbm>>) dst(%arg11 : memref<32x768xf32, #tpu.memory_space<vmem>>)
    %dma_start3A_21 = arith.constant 32 : i32
    %dma_start3A_22 = tpu.memref_slice %arg7[%dma_start3A_21] : memref<256xi32, #tpu.memory_space<vmem>> -> memref<32xi32, #tpu.memory_space<vmem>>
    %dma_start3A_23 = arith.constant 0 : i32
    %dma_start3A_24 = arith.constant 0 : i32
    %dma_start3A_25 = tpu.memref_slice %arg2[%dma_start3A_23, %dma_start3A_24] : memref<50272x768xf32, #tpu.memory_space<hbm>> -> memref<50272x768xf32, #tpu.memory_space<hbm>>
    tpu.enqueue_indirect_dma source(%dma_start3A_25 : memref<50272x768xf32, #tpu.memory_space<hbm>>) target(%arg10 : memref<32x768xf32, #tpu.memory_space<vmem>>) offsets(%dma_start3A_22 : memref<32xi32, #tpu.memory_space<vmem>>) semaphore(%arg14 : memref<!tpu.dma_semaphore, #tpu.memory_space<semaphore_mem>>)
    %dma_start3A_26 = arith.constant 32 : i32
    %dma_start3A_27 = tpu.memref_slice %arg8[%dma_start3A_26] : memref<256xi32, #tpu.memory_space<vmem>> -> memref<32xi32, #tpu.memory_space<vmem>>
    %dma_start3A_28 = arith.constant 0 : i32
    %dma_start3A_29 = arith.constant 0 : i32
    %dma_start3A_30 = tpu.memref_slice %arg3[%dma_start3A_28, %dma_start3A_29] : memref<2050x768xf32, #tpu.memory_space<hbm>> -> memref<2050x768xf32, #tpu.memory_space<hbm>>
    tpu.enqueue_indirect_dma source(%dma_start3A_30 : memref<2050x768xf32, #tpu.memory_space<hbm>>) target(%arg12 : memref<32x768xf32, #tpu.memory_space<vmem>>) offsets(%dma_start3A_27 : memref<32xi32, #tpu.memory_space<vmem>>) semaphore(%arg16 : memref<!tpu.dma_semaphore, #tpu.memory_space<semaphore_mem>>)
    %add3A_31 = arith.constant 0 : i32
    %add3A_32 = arith.addi %mul3A_2, %add3A_31 : i32
    %dma_start3A_33 = arith.constant 0 : i32
    %dma_start3A_34 = tpu.memref_slice %arg6[%add3A_32, %dma_start3A_33] : memref<8192x768xf32, #tpu.memory_space<hbm>> -> memref<32x768xf32, #tpu.memory_space<hbm>>
    %dma_start3A_35 = arith.constant 0 : i32
    %dma_start3A_36 = tpu.memref_slice %arg6[%add3A_32, %dma_start3A_35] : memref<8192x768xf32, #tpu.memory_space<hbm>> -> memref<32x768xf32, #tpu.memory_space<hbm>>
    tpu.enqueue_dma source(%arg9 : memref<32x768xf32, #tpu.memory_space<vmem>>) target(%dma_start3A_36 : memref<32x768xf32, #tpu.memory_space<hbm>>) target_semaphore(%arg17 : memref<!tpu.dma_semaphore, #tpu.memory_space<semaphore_mem>>)
    %dma_wait3A_37 = arith.constant 32 : i32
    %dma_wait3A_38 = tpu.memref_slice %arg7[%dma_wait3A_37] : memref<256xi32, #tpu.memory_space<vmem>> -> memref<32xi32, #tpu.memory_space<vmem>>
    %dma_wait3A_39 = arith.constant 0 : i32
    %dma_wait3A_40 = arith.constant 0 : i32
    %dma_wait3A_41 = tpu.memref_slice %arg2[%dma_wait3A_39, %dma_wait3A_40] : memref<50272x768xf32, #tpu.memory_space<hbm>> -> memref<50272x768xf32, #tpu.memory_space<hbm>>
    tpu.wait_indirect_dma semaphore(%arg14 : memref<!tpu.dma_semaphore, #tpu.memory_space<semaphore_mem>>) src(%dma_wait3A_41 : memref<50272x768xf32, #tpu.memory_space<hbm>>) dst(%arg10 : memref<32x768xf32, #tpu.memory_space<vmem>>)
    %dma_wait3A_42 = arith.constant 32 : i32
    %dma_wait3A_43 = tpu.memref_slice %arg8[%dma_wait3A_42] : memref<256xi32, #tpu.memory_space<vmem>> -> memref<32xi32, #tpu.memory_space<vmem>>
    %dma_wait3A_44 = arith.constant 0 : i32
    %dma_wait3A_45 = arith.constant 0 : i32
    %dma_wait3A_46 = tpu.memref_slice %arg3[%dma_wait3A_44, %dma_wait3A_45] : memref<2050x768xf32, #tpu.memory_space<hbm>> -> memref<2050x768xf32, #tpu.memory_space<hbm>>
    tpu.wait_indirect_dma semaphore(%arg16 : memref<!tpu.dma_semaphore, #tpu.memory_space<semaphore_mem>>) src(%dma_wait3A_46 : memref<2050x768xf32, #tpu.memory_space<hbm>>) dst(%arg12 : memref<32x768xf32, #tpu.memory_space<vmem>>)
    %add3A_47 = arith.constant 0 : i32
    %add3A_48 = arith.addi %mul3A_2, %add3A_47 : i32
    %dma_wait3A_49 = arith.constant 0 : i32
    %dma_wait3A_50 = tpu.memref_slice %arg6[%add3A_48, %dma_wait3A_49] : memref<8192x768xf32, #tpu.memory_space<hbm>> -> memref<32x768xf32, #tpu.memory_space<hbm>>
    %dma_wait3A_51 = arith.constant 0 : i32
    %dma_wait3A_52 = tpu.memref_slice %arg6[%add3A_48, %dma_wait3A_51] : memref<8192x768xf32, #tpu.memory_space<hbm>> -> memref<32x768xf32, #tpu.memory_space<hbm>>
    tpu.wait_dma2 semaphore(%arg17 : memref<!tpu.dma_semaphore, #tpu.memory_space<semaphore_mem>>) src(%arg9 : memref<32x768xf32, #tpu.memory_space<vmem>>) dst(%dma_wait3A_52 : memref<32x768xf32, #tpu.memory_space<hbm>>)
    %dma_start3A_53 = arith.constant 64 : i32
    %dma_start3A_54 = tpu.memref_slice %arg7[%dma_start3A_53] : memref<256xi32, #tpu.memory_space<vmem>> -> memref<32xi32, #tpu.memory_space<vmem>>
    %dma_start3A_55 = arith.constant 0 : i32
    %dma_start3A_56 = arith.constant 0 : i32
    %dma_start3A_57 = tpu.memref_slice %arg2[%dma_start3A_55, %dma_start3A_56] : memref<50272x768xf32, #tpu.memory_space<hbm>> -> memref<50272x768xf32, #tpu.memory_space<hbm>>
    tpu.enqueue_indirect_dma source(%dma_start3A_57 : memref<50272x768xf32, #tpu.memory_space<hbm>>) target(%arg9 : memref<32x768xf32, #tpu.memory_space<vmem>>) offsets(%dma_start3A_54 : memref<32xi32, #tpu.memory_space<vmem>>) semaphore(%arg13 : memref<!tpu.dma_semaphore, #tpu.memory_space<semaphore_mem>>)
    %dma_start3A_58 = arith.constant 64 : i32
    %dma_start3A_59 = tpu.memref_slice %arg8[%dma_start3A_58] : memref<256xi32, #tpu.memory_space<vmem>> -> memref<32xi32, #tpu.memory_space<vmem>>
    %dma_start3A_60 = arith.constant 0 : i32
    %dma_start3A_61 = arith.constant 0 : i32
    %dma_start3A_62 = tpu.memref_slice %arg3[%dma_start3A_60, %dma_start3A_61] : memref<2050x768xf32, #tpu.memory_space<hbm>> -> memref<2050x768xf32, #tpu.memory_space<hbm>>
    tpu.enqueue_indirect_dma source(%dma_start3A_62 : memref<2050x768xf32, #tpu.memory_space<hbm>>) target(%arg11 : memref<32x768xf32, #tpu.memory_space<vmem>>) offsets(%dma_start3A_59 : memref<32xi32, #tpu.memory_space<vmem>>) semaphore(%arg15 : memref<!tpu.dma_semaphore, #tpu.memory_space<semaphore_mem>>)
    %add3A_63 = arith.constant 32 : i32
    %add3A_64 = arith.addi %mul3A_2, %add3A_63 : i32
    %dma_start3A_65 = arith.constant 0 : i32
    %dma_start3A_66 = tpu.memref_slice %arg6[%add3A_64, %dma_start3A_65] : memref<8192x768xf32, #tpu.memory_space<hbm>> -> memref<32x768xf32, #tpu.memory_space<hbm>>
    %dma_start3A_67 = arith.constant 0 : i32
    %dma_start3A_68 = tpu.memref_slice %arg6[%add3A_64, %dma_start3A_67] : memref<8192x768xf32, #tpu.memory_space<hbm>> -> memref<32x768xf32, #tpu.memory_space<hbm>>
    tpu.enqueue_dma source(%arg10 : memref<32x768xf32, #tpu.memory_space<vmem>>) target(%dma_start3A_68 : memref<32x768xf32, #tpu.memory_space<hbm>>) target_semaphore(%arg18 : memref<!tpu.dma_semaphore, #tpu.memory_space<semaphore_mem>>)
    %dma_wait3A_69 = arith.constant 64 : i32
    %dma_wait3A_70 = tpu.memref_slice %arg7[%dma_wait3A_69] : memref<256xi32, #tpu.memory_space<vmem>> -> memref<32xi32, #tpu.memory_space<vmem>>
    %dma_wait3A_71 = arith.constant 0 : i32
    %dma_wait3A_72 = arith.constant 0 : i32
    %dma_wait3A_73 = tpu.memref_slice %arg2[%dma_wait3A_71, %dma_wait3A_72] : memref<50272x768xf32, #tpu.memory_space<hbm>> -> memref<50272x768xf32, #tpu.memory_space<hbm>>
    tpu.wait_indirect_dma semaphore(%arg13 : memref<!tpu.dma_semaphore, #tpu.memory_space<semaphore_mem>>) src(%dma_wait3A_73 : memref<50272x768xf32, #tpu.memory_space<hbm>>) dst(%arg9 : memref<32x768xf32, #tpu.memory_space<vmem>>)
    %dma_wait3A_74 = arith.constant 64 : i32
    %dma_wait3A_75 = tpu.memref_slice %arg8[%dma_wait3A_74] : memref<256xi32, #tpu.memory_space<vmem>> -> memref<32xi32, #tpu.memory_space<vmem>>
    %dma_wait3A_76 = arith.constant 0 : i32
    %dma_wait3A_77 = arith.constant 0 : i32
    %dma_wait3A_78 = tpu.memref_slice %arg3[%dma_wait3A_76, %dma_wait3A_77] : memref<2050x768xf32, #tpu.memory_space<hbm>> -> memref<2050x768xf32, #tpu.memory_space<hbm>>
    tpu.wait_indirect_dma semaphore(%arg15 : memref<!tpu.dma_semaphore, #tpu.memory_space<semaphore_mem>>) src(%dma_wait3A_78 : memref<2050x768xf32, #tpu.memory_space<hbm>>) dst(%arg11 : memref<32x768xf32, #tpu.memory_space<vmem>>)
    %add3A_79 = arith.constant 32 : i32
    %add3A_80 = arith.addi %mul3A_2, %add3A_79 : i32
    %dma_wait3A_81 = arith.constant 0 : i32
    %dma_wait3A_82 = tpu.memref_slice %arg6[%add3A_80, %dma_wait3A_81] : memref<8192x768xf32, #tpu.memory_space<hbm>> -> memref<32x768xf32, #tpu.memory_space<hbm>>
    %dma_wait3A_83 = arith.constant 0 : i32
    %dma_wait3A_84 = tpu.memref_slice %arg6[%add3A_80, %dma_wait3A_83] : memref<8192x768xf32, #tpu.memory_space<hbm>> -> memref<32x768xf32, #tpu.memory_space<hbm>>
    tpu.wait_dma2 semaphore(%arg18 : memref<!tpu.dma_semaphore, #tpu.memory_space<semaphore_mem>>) src(%arg10 : memref<32x768xf32, #tpu.memory_space<vmem>>) dst(%dma_wait3A_84 : memref<32x768xf32, #tpu.memory_space<hbm>>)
    %dma_start3A_85 = arith.constant 96 : i32
    %dma_start3A_86 = tpu.memref_slice %arg7[%dma_start3A_85] : memref<256xi32, #tpu.memory_space<vmem>> -> memref<32xi32, #tpu.memory_space<vmem>>
    %dma_start3A_87 = arith.constant 0 : i32
    %dma_start3A_88 = arith.constant 0 : i32
    %dma_start3A_89 = tpu.memref_slice %arg2[%dma_start3A_87, %dma_start3A_88] : memref<50272x768xf32, #tpu.memory_space<hbm>> -> memref<50272x768xf32, #tpu.memory_space<hbm>>
    tpu.enqueue_indirect_dma source(%dma_start3A_89 : memref<50272x768xf32, #tpu.memory_space<hbm>>) target(%arg10 : memref<32x768xf32, #tpu.memory_space<vmem>>) offsets(%dma_start3A_86 : memref<32xi32, #tpu.memory_space<vmem>>) semaphore(%arg14 : memref<!tpu.dma_semaphore, #tpu.memory_space<semaphore_mem>>)
    %dma_start3A_90 = arith.constant 96 : i32
    %dma_start3A_91 = tpu.memref_slice %arg8[%dma_start3A_90] : memref<256xi32, #tpu.memory_space<vmem>> -> memref<32xi32, #tpu.memory_space<vmem>>
    %dma_start3A_92 = arith.constant 0 : i32
    %dma_start3A_93 = arith.constant 0 : i32
    %dma_start3A_94 = tpu.memref_slice %arg3[%dma_start3A_92, %dma_start3A_93] : memref<2050x768xf32, #tpu.memory_space<hbm>> -> memref<2050x768xf32, #tpu.memory_space<hbm>>
    tpu.enqueue_indirect_dma source(%dma_start3A_94 : memref<2050x768xf32, #tpu.memory_space<hbm>>) target(%arg12 : memref<32x768xf32, #tpu.memory_space<vmem>>) offsets(%dma_start3A_91 : memref<32xi32, #tpu.memory_space<vmem>>) semaphore(%arg16 : memref<!tpu.dma_semaphore, #tpu.memory_space<semaphore_mem>>)
    %add3A_95 = arith.constant 64 : i32
    %add3A_96 = arith.addi %mul3A_2, %add3A_95 : i32
    %dma_start3A_97 = arith.constant 0 : i32
    %dma_start3A_98 = tpu.memref_slice %arg6[%add3A_96, %dma_start3A_97] : memref<8192x768xf32, #tpu.memory_space<hbm>> -> memref<32x768xf32, #tpu.memory_space<hbm>>
    %dma_start3A_99 = arith.constant 0 : i32
    %dma_start3A_100 = tpu.memref_slice %arg6[%add3A_96, %dma_start3A_99] : memref<8192x768xf32, #tpu.memory_space<hbm>> -> memref<32x768xf32, #tpu.memory_space<hbm>>
    tpu.enqueue_dma source(%arg9 : memref<32x768xf32, #tpu.memory_space<vmem>>) target(%dma_start3A_100 : memref<32x768xf32, #tpu.memory_space<hbm>>) target_semaphore(%arg17 : memref<!tpu.dma_semaphore, #tpu.memory_space<semaphore_mem>>)
    %dma_wait3A_101 = arith.constant 96 : i32
    %dma_wait3A_102 = tpu.memref_slice %arg7[%dma_wait3A_101] : memref<256xi32, #tpu.memory_space<vmem>> -> memref<32xi32, #tpu.memory_space<vmem>>
    %dma_wait3A_103 = arith.constant 0 : i32
    %dma_wait3A_104 = arith.constant 0 : i32
    %dma_wait3A_105 = tpu.memref_slice %arg2[%dma_wait3A_103, %dma_wait3A_104] : memref<50272x768xf32, #tpu.memory_space<hbm>> -> memref<50272x768xf32, #tpu.memory_space<hbm>>
    tpu.wait_indirect_dma semaphore(%arg14 : memref<!tpu.dma_semaphore, #tpu.memory_space<semaphore_mem>>) src(%dma_wait3A_105 : memref<50272x768xf32, #tpu.memory_space<hbm>>) dst(%arg10 : memref<32x768xf32, #tpu.memory_space<vmem>>)
    %dma_wait3A_106 = arith.constant 96 : i32
    %dma_wait3A_107 = tpu.memref_slice %arg8[%dma_wait3A_106] : memref<256xi32, #tpu.memory_space<vmem>> -> memref<32xi32, #tpu.memory_space<vmem>>
    %dma_wait3A_108 = arith.constant 0 : i32
    %dma_wait3A_109 = arith.constant 0 : i32
    %dma_wait3A_110 = tpu.memref_slice %arg3[%dma_wait3A_108, %dma_wait3A_109] : memref<2050x768xf32, #tpu.memory_space<hbm>> -> memref<2050x768xf32, #tpu.memory_space<hbm>>
    tpu.wait_indirect_dma semaphore(%arg16 : memref<!tpu.dma_semaphore, #tpu.memory_space<semaphore_mem>>) src(%dma_wait3A_110 : memref<2050x768xf32, #tpu.memory_space<hbm>>) dst(%arg12 : memref<32x768xf32, #tpu.memory_space<vmem>>)
    %add3A_111 = arith.constant 64 : i32
    %add3A_112 = arith.addi %mul3A_2, %add3A_111 : i32
    %dma_wait3A_113 = arith.constant 0 : i32
    %dma_wait3A_114 = tpu.memref_slice %arg6[%add3A_112, %dma_wait3A_113] : memref<8192x768xf32, #tpu.memory_space<hbm>> -> memref<32x768xf32, #tpu.memory_space<hbm>>
    %dma_wait3A_115 = arith.constant 0 : i32
    %dma_wait3A_116 = tpu.memref_slice %arg6[%add3A_112, %dma_wait3A_115] : memref<8192x768xf32, #tpu.memory_space<hbm>> -> memref<32x768xf32, #tpu.memory_space<hbm>>
    tpu.wait_dma2 semaphore(%arg17 : memref<!tpu.dma_semaphore, #tpu.memory_space<semaphore_mem>>) src(%arg9 : memref<32x768xf32, #tpu.memory_space<vmem>>) dst(%dma_wait3A_116 : memref<32x768xf32, #tpu.memory_space<hbm>>)
    %dma_start3A_117 = arith.constant 128 : i32
    %dma_start3A_118 = tpu.memref_slice %arg7[%dma_start3A_117] : memref<256xi32, #tpu.memory_space<vmem>> -> memref<32xi32, #tpu.memory_space<vmem>>
    %dma_start3A_119 = arith.constant 0 : i32
    %dma_start3A_120 = arith.constant 0 : i32
    %dma_start3A_121 = tpu.memref_slice %arg2[%dma_start3A_119, %dma_start3A_120] : memref<50272x768xf32, #tpu.memory_space<hbm>> -> memref<50272x768xf32, #tpu.memory_space<hbm>>
    tpu.enqueue_indirect_dma source(%dma_start3A_121 : memref<50272x768xf32, #tpu.memory_space<hbm>>) target(%arg9 : memref<32x768xf32, #tpu.memory_space<vmem>>) offsets(%dma_start3A_118 : memref<32xi32, #tpu.memory_space<vmem>>) semaphore(%arg13 : memref<!tpu.dma_semaphore, #tpu.memory_space<semaphore_mem>>)
    %dma_start3A_122 = arith.constant 128 : i32
    %dma_start3A_123 = tpu.memref_slice %arg8[%dma_start3A_122] : memref<256xi32, #tpu.memory_space<vmem>> -> memref<32xi32, #tpu.memory_space<vmem>>
    %dma_start3A_124 = arith.constant 0 : i32
    %dma_start3A_125 = arith.constant 0 : i32
    %dma_start3A_126 = tpu.memref_slice %arg3[%dma_start3A_124, %dma_start3A_125] : memref<2050x768xf32, #tpu.memory_space<hbm>> -> memref<2050x768xf32, #tpu.memory_space<hbm>>
    tpu.enqueue_indirect_dma source(%dma_start3A_126 : memref<2050x768xf32, #tpu.memory_space<hbm>>) target(%arg11 : memref<32x768xf32, #tpu.memory_space<vmem>>) offsets(%dma_start3A_123 : memref<32xi32, #tpu.memory_space<vmem>>) semaphore(%arg15 : memref<!tpu.dma_semaphore, #tpu.memory_space<semaphore_mem>>)
    %add3A_127 = arith.constant 96 : i32
    %add3A_128 = arith.addi %mul3A_2, %add3A_127 : i32
    %dma_start3A_129 = arith.constant 0 : i32
    %dma_start3A_130 = tpu.memref_slice %arg6[%add3A_128, %dma_start3A_129] : memref<8192x768xf32, #tpu.memory_space<hbm>> -> memref<32x768xf32, #tpu.memory_space<hbm>>
    %dma_start3A_131 = arith.constant 0 : i32
    %dma_start3A_132 = tpu.memref_slice %arg6[%add3A_128, %dma_start3A_131] : memref<8192x768xf32, #tpu.memory_space<hbm>> -> memref<32x768xf32, #tpu.memory_space<hbm>>
    tpu.enqueue_dma source(%arg10 : memref<32x768xf32, #tpu.memory_space<vmem>>) target(%dma_start3A_132 : memref<32x768xf32, #tpu.memory_space<hbm>>) target_semaphore(%arg18 : memref<!tpu.dma_semaphore, #tpu.memory_space<semaphore_mem>>)
    %dma_wait3A_133 = arith.constant 128 : i32
    %dma_wait3A_134 = tpu.memref_slice %arg7[%dma_wait3A_133] : memref<256xi32, #tpu.memory_space<vmem>> -> memref<32xi32, #tpu.memory_space<vmem>>
    %dma_wait3A_135 = arith.constant 0 : i32
    %dma_wait3A_136 = arith.constant 0 : i32
    %dma_wait3A_137 = tpu.memref_slice %arg2[%dma_wait3A_135, %dma_wait3A_136] : memref<50272x768xf32, #tpu.memory_space<hbm>> -> memref<50272x768xf32, #tpu.memory_space<hbm>>
    tpu.wait_indirect_dma semaphore(%arg13 : memref<!tpu.dma_semaphore, #tpu.memory_space<semaphore_mem>>) src(%dma_wait3A_137 : memref<50272x768xf32, #tpu.memory_space<hbm>>) dst(%arg9 : memref<32x768xf32, #tpu.memory_space<vmem>>)
    %dma_wait3A_138 = arith.constant 128 : i32
    %dma_wait3A_139 = tpu.memref_slice %arg8[%dma_wait3A_138] : memref<256xi32, #tpu.memory_space<vmem>> -> memref<32xi32, #tpu.memory_space<vmem>>
    %dma_wait3A_140 = arith.constant 0 : i32
    %dma_wait3A_141 = arith.constant 0 : i32
    %dma_wait3A_142 = tpu.memref_slice %arg3[%dma_wait3A_140, %dma_wait3A_141] : memref<2050x768xf32, #tpu.memory_space<hbm>> -> memref<2050x768xf32, #tpu.memory_space<hbm>>
    tpu.wait_indirect_dma semaphore(%arg15 : memref<!tpu.dma_semaphore, #tpu.memory_space<semaphore_mem>>) src(%dma_wait3A_142 : memref<2050x768xf32, #tpu.memory_space<hbm>>) dst(%arg11 : memref<32x768xf32, #tpu.memory_space<vmem>>)
    %add3A_143 = arith.constant 96 : i32
    %add3A_144 = arith.addi %mul3A_2, %add3A_143 : i32
    %dma_wait3A_145 = arith.constant 0 : i32
    %dma_wait3A_146 = tpu.memref_slice %arg6[%add3A_144, %dma_wait3A_145] : memref<8192x768xf32, #tpu.memory_space<hbm>> -> memref<32x768xf32, #tpu.memory_space<hbm>>
    %dma_wait3A_147 = arith.constant 0 : i32
    %dma_wait3A_148 = tpu.memref_slice %arg6[%add3A_144, %dma_wait3A_147] : memref<8192x768xf32, #tpu.memory_space<hbm>> -> memref<32x768xf32, #tpu.memory_space<hbm>>
    tpu.wait_dma2 semaphore(%arg18 : memref<!tpu.dma_semaphore, #tpu.memory_space<semaphore_mem>>) src(%arg10 : memref<32x768xf32, #tpu.memory_space<vmem>>) dst(%dma_wait3A_148 : memref<32x768xf32, #tpu.memory_space<hbm>>)
    %dma_start3A_149 = arith.constant 160 : i32
    %dma_start3A_150 = tpu.memref_slice %arg7[%dma_start3A_149] : memref<256xi32, #tpu.memory_space<vmem>> -> memref<32xi32, #tpu.memory_space<vmem>>
    %dma_start3A_151 = arith.constant 0 : i32
    %dma_start3A_152 = arith.constant 0 : i32
    %dma_start3A_153 = tpu.memref_slice %arg2[%dma_start3A_151, %dma_start3A_152] : memref<50272x768xf32, #tpu.memory_space<hbm>> -> memref<50272x768xf32, #tpu.memory_space<hbm>>
    tpu.enqueue_indirect_dma source(%dma_start3A_153 : memref<50272x768xf32, #tpu.memory_space<hbm>>) target(%arg10 : memref<32x768xf32, #tpu.memory_space<vmem>>) offsets(%dma_start3A_150 : memref<32xi32, #tpu.memory_space<vmem>>) semaphore(%arg14 : memref<!tpu.dma_semaphore, #tpu.memory_space<semaphore_mem>>)
    %dma_start3A_154 = arith.constant 160 : i32
    %dma_start3A_155 = tpu.memref_slice %arg8[%dma_start3A_154] : memref<256xi32, #tpu.memory_space<vmem>> -> memref<32xi32, #tpu.memory_space<vmem>>
    %dma_start3A_156 = arith.constant 0 : i32
    %dma_start3A_157 = arith.constant 0 : i32
    %dma_start3A_158 = tpu.memref_slice %arg3[%dma_start3A_156, %dma_start3A_157] : memref<2050x768xf32, #tpu.memory_space<hbm>> -> memref<2050x768xf32, #tpu.memory_space<hbm>>
    tpu.enqueue_indirect_dma source(%dma_start3A_158 : memref<2050x768xf32, #tpu.memory_space<hbm>>) target(%arg12 : memref<32x768xf32, #tpu.memory_space<vmem>>) offsets(%dma_start3A_155 : memref<32xi32, #tpu.memory_space<vmem>>) semaphore(%arg16 : memref<!tpu.dma_semaphore, #tpu.memory_space<semaphore_mem>>)
    %add3A_159 = arith.constant 128 : i32
    %add3A_160 = arith.addi %mul3A_2, %add3A_159 : i32
    %dma_start3A_161 = arith.constant 0 : i32
    %dma_start3A_162 = tpu.memref_slice %arg6[%add3A_160, %dma_start3A_161] : memref<8192x768xf32, #tpu.memory_space<hbm>> -> memref<32x768xf32, #tpu.memory_space<hbm>>
    %dma_start3A_163 = arith.constant 0 : i32
    %dma_start3A_164 = tpu.memref_slice %arg6[%add3A_160, %dma_start3A_163] : memref<8192x768xf32, #tpu.memory_space<hbm>> -> memref<32x768xf32, #tpu.memory_space<hbm>>
    tpu.enqueue_dma source(%arg9 : memref<32x768xf32, #tpu.memory_space<vmem>>) target(%dma_start3A_164 : memref<32x768xf32, #tpu.memory_space<hbm>>) target_semaphore(%arg17 : memref<!tpu.dma_semaphore, #tpu.memory_space<semaphore_mem>>)
    %dma_wait3A_165 = arith.constant 160 : i32
    %dma_wait3A_166 = tpu.memref_slice %arg7[%dma_wait3A_165] : memref<256xi32, #tpu.memory_space<vmem>> -> memref<32xi32, #tpu.memory_space<vmem>>
    %dma_wait3A_167 = arith.constant 0 : i32
    %dma_wait3A_168 = arith.constant 0 : i32
    %dma_wait3A_169 = tpu.memref_slice %arg2[%dma_wait3A_167, %dma_wait3A_168] : memref<50272x768xf32, #tpu.memory_space<hbm>> -> memref<50272x768xf32, #tpu.memory_space<hbm>>
    tpu.wait_indirect_dma semaphore(%arg14 : memref<!tpu.dma_semaphore, #tpu.memory_space<semaphore_mem>>) src(%dma_wait3A_169 : memref<50272x768xf32, #tpu.memory_space<hbm>>) dst(%arg10 : memref<32x768xf32, #tpu.memory_space<vmem>>)
    %dma_wait3A_170 = arith.constant 160 : i32
    %dma_wait3A_171 = tpu.memref_slice %arg8[%dma_wait3A_170] : memref<256xi32, #tpu.memory_space<vmem>> -> memref<32xi32, #tpu.memory_space<vmem>>
    %dma_wait3A_172 = arith.constant 0 : i32
    %dma_wait3A_173 = arith.constant 0 : i32
    %dma_wait3A_174 = tpu.memref_slice %arg3[%dma_wait3A_172, %dma_wait3A_173] : memref<2050x768xf32, #tpu.memory_space<hbm>> -> memref<2050x768xf32, #tpu.memory_space<hbm>>
    tpu.wait_indirect_dma semaphore(%arg16 : memref<!tpu.dma_semaphore, #tpu.memory_space<semaphore_mem>>) src(%dma_wait3A_174 : memref<2050x768xf32, #tpu.memory_space<hbm>>) dst(%arg12 : memref<32x768xf32, #tpu.memory_space<vmem>>)
    %add3A_175 = arith.constant 128 : i32
    %add3A_176 = arith.addi %mul3A_2, %add3A_175 : i32
    %dma_wait3A_177 = arith.constant 0 : i32
    %dma_wait3A_178 = tpu.memref_slice %arg6[%add3A_176, %dma_wait3A_177] : memref<8192x768xf32, #tpu.memory_space<hbm>> -> memref<32x768xf32, #tpu.memory_space<hbm>>
    %dma_wait3A_179 = arith.constant 0 : i32
    %dma_wait3A_180 = tpu.memref_slice %arg6[%add3A_176, %dma_wait3A_179] : memref<8192x768xf32, #tpu.memory_space<hbm>> -> memref<32x768xf32, #tpu.memory_space<hbm>>
    tpu.wait_dma2 semaphore(%arg17 : memref<!tpu.dma_semaphore, #tpu.memory_space<semaphore_mem>>) src(%arg9 : memref<32x768xf32, #tpu.memory_space<vmem>>) dst(%dma_wait3A_180 : memref<32x768xf32, #tpu.memory_space<hbm>>)
    %dma_start3A_181 = arith.constant 192 : i32
    %dma_start3A_182 = tpu.memref_slice %arg7[%dma_start3A_181] : memref<256xi32, #tpu.memory_space<vmem>> -> memref<32xi32, #tpu.memory_space<vmem>>
    %dma_start3A_183 = arith.constant 0 : i32
    %dma_start3A_184 = arith.constant 0 : i32
    %dma_start3A_185 = tpu.memref_slice %arg2[%dma_start3A_183, %dma_start3A_184] : memref<50272x768xf32, #tpu.memory_space<hbm>> -> memref<50272x768xf32, #tpu.memory_space<hbm>>
    tpu.enqueue_indirect_dma source(%dma_start3A_185 : memref<50272x768xf32, #tpu.memory_space<hbm>>) target(%arg9 : memref<32x768xf32, #tpu.memory_space<vmem>>) offsets(%dma_start3A_182 : memref<32xi32, #tpu.memory_space<vmem>>) semaphore(%arg13 : memref<!tpu.dma_semaphore, #tpu.memory_space<semaphore_mem>>)
    %dma_start3A_186 = arith.constant 192 : i32
    %dma_start3A_187 = tpu.memref_slice %arg8[%dma_start3A_186] : memref<256xi32, #tpu.memory_space<vmem>> -> memref<32xi32, #tpu.memory_space<vmem>>
    %dma_start3A_188 = arith.constant 0 : i32
    %dma_start3A_189 = arith.constant 0 : i32
    %dma_start3A_190 = tpu.memref_slice %arg3[%dma_start3A_188, %dma_start3A_189] : memref<2050x768xf32, #tpu.memory_space<hbm>> -> memref<2050x768xf32, #tpu.memory_space<hbm>>
    tpu.enqueue_indirect_dma source(%dma_start3A_190 : memref<2050x768xf32, #tpu.memory_space<hbm>>) target(%arg11 : memref<32x768xf32, #tpu.memory_space<vmem>>) offsets(%dma_start3A_187 : memref<32xi32, #tpu.memory_space<vmem>>) semaphore(%arg15 : memref<!tpu.dma_semaphore, #tpu.memory_space<semaphore_mem>>)
    %add3A_191 = arith.constant 160 : i32
    %add3A_192 = arith.addi %mul3A_2, %add3A_191 : i32
    %dma_start3A_193 = arith.constant 0 : i32
    %dma_start3A_194 = tpu.memref_slice %arg6[%add3A_192, %dma_start3A_193] : memref<8192x768xf32, #tpu.memory_space<hbm>> -> memref<32x768xf32, #tpu.memory_space<hbm>>
    %dma_start3A_195 = arith.constant 0 : i32
    %dma_start3A_196 = tpu.memref_slice %arg6[%add3A_192, %dma_start3A_195] : memref<8192x768xf32, #tpu.memory_space<hbm>> -> memref<32x768xf32, #tpu.memory_space<hbm>>
    tpu.enqueue_dma source(%arg10 : memref<32x768xf32, #tpu.memory_space<vmem>>) target(%dma_start3A_196 : memref<32x768xf32, #tpu.memory_space<hbm>>) target_semaphore(%arg18 : memref<!tpu.dma_semaphore, #tpu.memory_space<semaphore_mem>>)
    %dma_wait3A_197 = arith.constant 192 : i32
    %dma_wait3A_198 = tpu.memref_slice %arg7[%dma_wait3A_197] : memref<256xi32, #tpu.memory_space<vmem>> -> memref<32xi32, #tpu.memory_space<vmem>>
    %dma_wait3A_199 = arith.constant 0 : i32
    %dma_wait3A_200 = arith.constant 0 : i32
    %dma_wait3A_201 = tpu.memref_slice %arg2[%dma_wait3A_199, %dma_wait3A_200] : memref<50272x768xf32, #tpu.memory_space<hbm>> -> memref<50272x768xf32, #tpu.memory_space<hbm>>
    tpu.wait_indirect_dma semaphore(%arg13 : memref<!tpu.dma_semaphore, #tpu.memory_space<semaphore_mem>>) src(%dma_wait3A_201 : memref<50272x768xf32, #tpu.memory_space<hbm>>) dst(%arg9 : memref<32x768xf32, #tpu.memory_space<vmem>>)
    %dma_wait3A_202 = arith.constant 192 : i32
    %dma_wait3A_203 = tpu.memref_slice %arg8[%dma_wait3A_202] : memref<256xi32, #tpu.memory_space<vmem>> -> memref<32xi32, #tpu.memory_space<vmem>>
    %dma_wait3A_204 = arith.constant 0 : i32
    %dma_wait3A_205 = arith.constant 0 : i32
    %dma_wait3A_206 = tpu.memref_slice %arg3[%dma_wait3A_204, %dma_wait3A_205] : memref<2050x768xf32, #tpu.memory_space<hbm>> -> memref<2050x768xf32, #tpu.memory_space<hbm>>
    tpu.wait_indirect_dma semaphore(%arg15 : memref<!tpu.dma_semaphore, #tpu.memory_space<semaphore_mem>>) src(%dma_wait3A_206 : memref<2050x768xf32, #tpu.memory_space<hbm>>) dst(%arg11 : memref<32x768xf32, #tpu.memory_space<vmem>>)
    %add3A_207 = arith.constant 160 : i32
    %add3A_208 = arith.addi %mul3A_2, %add3A_207 : i32
    %dma_wait3A_209 = arith.constant 0 : i32
    %dma_wait3A_210 = tpu.memref_slice %arg6[%add3A_208, %dma_wait3A_209] : memref<8192x768xf32, #tpu.memory_space<hbm>> -> memref<32x768xf32, #tpu.memory_space<hbm>>
    %dma_wait3A_211 = arith.constant 0 : i32
    %dma_wait3A_212 = tpu.memref_slice %arg6[%add3A_208, %dma_wait3A_211] : memref<8192x768xf32, #tpu.memory_space<hbm>> -> memref<32x768xf32, #tpu.memory_space<hbm>>
    tpu.wait_dma2 semaphore(%arg18 : memref<!tpu.dma_semaphore, #tpu.memory_space<semaphore_mem>>) src(%arg10 : memref<32x768xf32, #tpu.memory_space<vmem>>) dst(%dma_wait3A_212 : memref<32x768xf32, #tpu.memory_space<hbm>>)
    %dma_start3A_213 = arith.constant 224 : i32
    %dma_start3A_214 = tpu.memref_slice %arg7[%dma_start3A_213] : memref<256xi32, #tpu.memory_space<vmem>> -> memref<32xi32, #tpu.memory_space<vmem>>
    %dma_start3A_215 = arith.constant 0 : i32
    %dma_start3A_216 = arith.constant 0 : i32
    %dma_start3A_217 = tpu.memref_slice %arg2[%dma_start3A_215, %dma_start3A_216] : memref<50272x768xf32, #tpu.memory_space<hbm>> -> memref<50272x768xf32, #tpu.memory_space<hbm>>
    tpu.enqueue_indirect_dma source(%dma_start3A_217 : memref<50272x768xf32, #tpu.memory_space<hbm>>) target(%arg10 : memref<32x768xf32, #tpu.memory_space<vmem>>) offsets(%dma_start3A_214 : memref<32xi32, #tpu.memory_space<vmem>>) semaphore(%arg14 : memref<!tpu.dma_semaphore, #tpu.memory_space<semaphore_mem>>)
    %dma_start3A_218 = arith.constant 224 : i32
    %dma_start3A_219 = tpu.memref_slice %arg8[%dma_start3A_218] : memref<256xi32, #tpu.memory_space<vmem>> -> memref<32xi32, #tpu.memory_space<vmem>>
    %dma_start3A_220 = arith.constant 0 : i32
    %dma_start3A_221 = arith.constant 0 : i32
    %dma_start3A_222 = tpu.memref_slice %arg3[%dma_start3A_220, %dma_start3A_221] : memref<2050x768xf32, #tpu.memory_space<hbm>> -> memref<2050x768xf32, #tpu.memory_space<hbm>>
    tpu.enqueue_indirect_dma source(%dma_start3A_222 : memref<2050x768xf32, #tpu.memory_space<hbm>>) target(%arg12 : memref<32x768xf32, #tpu.memory_space<vmem>>) offsets(%dma_start3A_219 : memref<32xi32, #tpu.memory_space<vmem>>) semaphore(%arg16 : memref<!tpu.dma_semaphore, #tpu.memory_space<semaphore_mem>>)
    %add3A_223 = arith.constant 192 : i32
    %add3A_224 = arith.addi %mul3A_2, %add3A_223 : i32
    %dma_start3A_225 = arith.constant 0 : i32
    %dma_start3A_226 = tpu.memref_slice %arg6[%add3A_224, %dma_start3A_225] : memref<8192x768xf32, #tpu.memory_space<hbm>> -> memref<32x768xf32, #tpu.memory_space<hbm>>
    %dma_start3A_227 = arith.constant 0 : i32
    %dma_start3A_228 = tpu.memref_slice %arg6[%add3A_224, %dma_start3A_227] : memref<8192x768xf32, #tpu.memory_space<hbm>> -> memref<32x768xf32, #tpu.memory_space<hbm>>
    tpu.enqueue_dma source(%arg9 : memref<32x768xf32, #tpu.memory_space<vmem>>) target(%dma_start3A_228 : memref<32x768xf32, #tpu.memory_space<hbm>>) target_semaphore(%arg17 : memref<!tpu.dma_semaphore, #tpu.memory_space<semaphore_mem>>)
    %dma_wait3A_229 = arith.constant 224 : i32
    %dma_wait3A_230 = tpu.memref_slice %arg7[%dma_wait3A_229] : memref<256xi32, #tpu.memory_space<vmem>> -> memref<32xi32, #tpu.memory_space<vmem>>
    %dma_wait3A_231 = arith.constant 0 : i32
    %dma_wait3A_232 = arith.constant 0 : i32
    %dma_wait3A_233 = tpu.memref_slice %arg2[%dma_wait3A_231, %dma_wait3A_232] : memref<50272x768xf32, #tpu.memory_space<hbm>> -> memref<50272x768xf32, #tpu.memory_space<hbm>>
    tpu.wait_indirect_dma semaphore(%arg14 : memref<!tpu.dma_semaphore, #tpu.memory_space<semaphore_mem>>) src(%dma_wait3A_233 : memref<50272x768xf32, #tpu.memory_space<hbm>>) dst(%arg10 : memref<32x768xf32, #tpu.memory_space<vmem>>)
    %dma_wait3A_234 = arith.constant 224 : i32
    %dma_wait3A_235 = tpu.memref_slice %arg8[%dma_wait3A_234] : memref<256xi32, #tpu.memory_space<vmem>> -> memref<32xi32, #tpu.memory_space<vmem>>
    %dma_wait3A_236 = arith.constant 0 : i32
    %dma_wait3A_237 = arith.constant 0 : i32
    %dma_wait3A_238 = tpu.memref_slice %arg3[%dma_wait3A_236, %dma_wait3A_237] : memref<2050x768xf32, #tpu.memory_space<hbm>> -> memref<2050x768xf32, #tpu.memory_space<hbm>>
    tpu.wait_indirect_dma semaphore(%arg16 : memref<!tpu.dma_semaphore, #tpu.memory_space<semaphore_mem>>) src(%dma_wait3A_238 : memref<2050x768xf32, #tpu.memory_space<hbm>>) dst(%arg12 : memref<32x768xf32, #tpu.memory_space<vmem>>)
    %add3A_239 = arith.constant 192 : i32
    %add3A_240 = arith.addi %mul3A_2, %add3A_239 : i32
    %dma_wait3A_241 = arith.constant 0 : i32
    %dma_wait3A_242 = tpu.memref_slice %arg6[%add3A_240, %dma_wait3A_241] : memref<8192x768xf32, #tpu.memory_space<hbm>> -> memref<32x768xf32, #tpu.memory_space<hbm>>
    %dma_wait3A_243 = arith.constant 0 : i32
    %dma_wait3A_244 = tpu.memref_slice %arg6[%add3A_240, %dma_wait3A_243] : memref<8192x768xf32, #tpu.memory_space<hbm>> -> memref<32x768xf32, #tpu.memory_space<hbm>>
    tpu.wait_dma2 semaphore(%arg17 : memref<!tpu.dma_semaphore, #tpu.memory_space<semaphore_mem>>) src(%arg9 : memref<32x768xf32, #tpu.memory_space<vmem>>) dst(%dma_wait3A_244 : memref<32x768xf32, #tpu.memory_space<hbm>>)
    %add3A_245 = arith.constant 224 : i32
    %add3A_246 = arith.addi %mul3A_2, %add3A_245 : i32
    %dma_start3A_247 = arith.constant 0 : i32
    %dma_start3A_248 = tpu.memref_slice %arg6[%add3A_246, %dma_start3A_247] : memref<8192x768xf32, #tpu.memory_space<hbm>> -> memref<32x768xf32, #tpu.memory_space<hbm>>
    %dma_start3A_249 = arith.constant 0 : i32
    %dma_start3A_250 = tpu.memref_slice %arg6[%add3A_246, %dma_start3A_249] : memref<8192x768xf32, #tpu.memory_space<hbm>> -> memref<32x768xf32, #tpu.memory_space<hbm>>
    tpu.enqueue_dma source(%arg10 : memref<32x768xf32, #tpu.memory_space<vmem>>) target(%dma_start3A_250 : memref<32x768xf32, #tpu.memory_space<hbm>>) target_semaphore(%arg18 : memref<!tpu.dma_semaphore, #tpu.memory_space<semaphore_mem>>)
    %add3A_251 = arith.constant 224 : i32
    %add3A_252 = arith.addi %mul3A_2, %add3A_251 : i32
    %dma_wait3A_253 = arith.constant 0 : i32
    %dma_wait3A_254 = tpu.memref_slice %arg6[%add3A_252, %dma_wait3A_253] : memref<8192x768xf32, #tpu.memory_space<hbm>> -> memref<32x768xf32, #tpu.memory_space<hbm>>
    %dma_wait3A_255 = arith.constant 0 : i32
    %dma_wait3A_256 = tpu.memref_slice %arg6[%add3A_252, %dma_wait3A_255] : memref<8192x768xf32, #tpu.memory_space<hbm>> -> memref<32x768xf32, #tpu.memory_space<hbm>>
    tpu.wait_dma2 semaphore(%arg18 : memref<!tpu.dma_semaphore, #tpu.memory_space<semaphore_mem>>) src(%arg10 : memref<32x768xf32, #tpu.memory_space<vmem>>) dst(%dma_wait3A_256 : memref<32x768xf32, #tpu.memory_space<hbm>>)
    return
  }
}

</mosaic_0001>

<sc_bundles>
// kernel: _embed.3.cloned.1.call-start
scs
__scs_entry_jumppad:
0x0: {  	(pc) =	sbr.rel $0x88, $3  }
0x1: {  	(tag) =	ssettag $0x0;
	lr =	simm.s32 $0x1  }
0x2: {  	[smem:$0x3F9D] =	sst lr;
	_ =	strace $0xD0000000  }
0x3: {  	_ = 	snop  }
0x4: {  	_ = 	snop  }
0x5: {  	_ = 	snop  }
0x6: {  	_ = 	snop  }
0x7: {  	_ = 	snop  }
__scs_overlays_trampoline_lowered:
0x8: {  	[smem:$0x3FAC] =	sst s0  }
0x9: {  	[smem:$0x3FAD] =	sst s1  }
0xa: {  	[smem:$0x3FAE] =	sst s2  }
0xb: {  	[smem:$0x3FAF] =	sst s3  }
0xc: {  	[smem:$0x3FB0] =	sst s4  }
0xd: {  	[smem:$0x3FB1] =	sst s5  }
0xe: {  	[smem:$0x3FB2] =	sst s6  }
0xf: {  	[smem:$0x3FB3] =	sst s7  }
0x10: {  	[smem:$0x3FB4] =	sst s8  }
0x11: {  	[smem:$0x3FB5] =	sst s9;
	s0 =	simm.s32 @!p0 $0x0  }
0x12: {  	s1 =	sld [smem:$0x3F9B];
	s0 =	simm.s32 @p0 $0x1  }
0x13: {  	[smem:$0x3FB6] =	sst s0;
	s0 =	simm.s32 @!p1 $0x0  }
0x14: {  	s2 =	sld [smem:$0x3F9A];
	s0 =	simm.s32 @p1 $0x1  }
0x15: {  	[smem:$0x3FB7] =	sst s0;
	s0 =	simm.s32 @!p2 $0x0  }
0x16: {  	s3 =	sld [smem:$0x3FDB];
	s0 =	simm.s32 @p2 $0x1  }
0x17: {  	s4 =	simm.s32 $0x1BF5;
	[smem:$0x3FB9] =	sst s0  }
0x18: {  	s0 =	sld [smem:$0x3F9C];
	_ =	swait.ge [sflag:s4], $0x0  }
0x19: {  	s7 =	sld [smem:$0x3F9D]  }
0x1a: {  	s8 =	sadd.s32 $0xFFFFE003, lr  }
0x1b: {  	s9 =	sadd.s32 $0xFFFFFEF7, lr;
	s5 =	simm.s32 $0xFFFFFFFF;
	p2 =	slt.u32 s8, $0xFFFFF086  }
0x1c: {  	p1 =	slt.u32 s9, $0xF7A;
	s5 =	simm.s32 @!p2 $0x0  }
0x1d: {  	s5 =	simm.s32 @p1 $0x1;
	p0 =	seq.s32 s7, s2  }
0x1e: {  	s7 =	smul.u32 @!p0 $0xF7A, s2;
	p2 =	seq.s32 @!p0 s5, $0x0  }
0x1f: {  	s9 =	smul.u32 $0xF7A, s1;
	s8 =	simm.s32 @!p0 $0x1BF5;
	p2 =	por !p2, p0  }
0x20: {  	[sflag:s8] =	ssyncset.s32 @!p0 $0xFFFFF086;
	s6 =	sadd.s32 @!p0 s3, s7;
	s7 =	simm.s32 @!p0 $0x108  }
0x21: {  	s3 =	sadd.s32 s3, s9;
	s6 =	sadd.s32 @!p0 $0x88, s6;
	s7 =	simm.s32 @p2 $0x1082  }
0x22: {  	[simem:s7], [sflag:s8] =	dma.local @!p0 [hbm:s6], $0xF7A  }
0x23: {  	s9 =	sor.u32 $0xD0000000, s2;
	s6 =	simm.s32 $0x108;
	_ =	swait.ge @!p0 [sflag:s8], $0x0  }
0x24: {  	s3 =	sadd.s32 $0x88, s3;
	s6 =	simm.s32 @!p1 $0x1082;
	[sflag:s4] =	ssyncset.s32 $0xFFFFF086  }
0x25: {  	[simem:s6], [sflag:s4] =	dma.local [hbm:s3], $0xF7A  }
0x26: {  	[smem:$0x3F9D] =	sst s1;
	(tag) =	ssettag s2;
	_ =	strace s9  }
0x27: {  	s1 =	sld [smem:$0x3FAD]  }
0x28: {  	s2 =	sld [smem:$0x3FAE]  }
0x29: {  	s4 =	sld [smem:$0x3FB0]  }
0x2a: {  	p0 =	seq.s32 s5, $0x0;
	s5 =	sld [smem:$0x3FB1]  }
0x2b: {  	s6 =	sld [smem:$0x3FB2]  }
0x2c: {  	s7 =	sld [smem:$0x3FB3]  }
0x2d: {  	s3 =	simm.s32 $0x108;
	s8 =	sld [smem:$0x3FB4]  }
0x2e: {  	s3 =	simm.s32 @!p0 $0x1082;
	s9 =	sld [smem:$0x3FB5]  }
0x2f: {  	lr =	sadd.s32 s0, s3;
	s0 =	sld [smem:$0x3FAC]  }
0x30: {  	s3 =	sld [smem:$0x3FAF]  }
0x31: {  	[smem:$0x3FB8] =	sst s10  }
0x32: {  	s10 =	sld [smem:$0x3FB6];
	_ =	sdelay $0x3  }
0x33: {  	p0 =	seq.s32 s10, $0x1;
	s10 =	sld [smem:$0x3FB8];
	_ =	sdelay $0x3  }
0x34: {  	[smem:$0x3FB8] =	sst s10  }
0x35: {  	s10 =	sld [smem:$0x3FB7];
	_ =	sdelay $0x3  }
0x36: {  	p1 =	seq.s32 s10, $0x1;
	s10 =	sld [smem:$0x3FB8];
	_ =	sdelay $0x3  }
0x37: {  	[smem:$0x3FB8] =	sst s10  }
0x38: {  	s10 =	sld [smem:$0x3FB9]  }
0x39: {  	_ = 	snop;
	(pc) =	sbr.ind lr, $3  }
0x3a: {  	_ = 	snop  }
0x3b: {  	_ = 	snop  }
0x3c: {  	p2 =	seq.s32 s10, $0x1;
	s10 =	sld [smem:$0x3FB8]  }
0x3d: {  	_ =	shalt  }
0x3e: {  	_ =	shalt  }
0x3f: {  	_ =	shalt  }
0x40: {  	_ =	shalt  }
0x41: {  	_ =	shalt  }
0x42: {  	_ =	shalt  }
0x43: {  	_ =	shalt  }
0x44: {  	_ =	shalt  }
0x45: {  	_ =	shalt  }
0x46: {  	_ =	shalt  }
0x47: {  	_ =	shalt  }
0x48: {  	_ =	shalt  }
0x49: {  	_ =	shalt  }
0x4a: {  	_ =	shalt  }
0x4b: {  	_ =	shalt  }
0x4c: {  	_ =	shalt  }
0x4d: {  	_ =	shalt  }
0x4e: {  	_ =	shalt  }
0x4f: {  	_ =	shalt  }
0x50: {  	_ =	shalt  }
0x51: {  	_ =	shalt  }
0x52: {  	_ =	shalt  }
0x53: {  	_ =	shalt  }
0x54: {  	_ =	shalt  }
0x55: {  	_ =	shalt  }
0x56: {  	_ =	shalt  }
0x57: {  	_ =	shalt  }
0x58: {  	_ =	shalt  }
0x59: {  	_ =	shalt  }
0x5a: {  	_ =	shalt  }
0x5b: {  	_ =	shalt  }
0x5c: {  	_ =	shalt  }
0x5d: {  	_ =	shalt  }
0x5e: {  	_ =	shalt  }
0x5f: {  	_ =	shalt  }
0x60: {  	_ =	shalt  }
0x61: {  	_ =	shalt  }
0x62: {  	_ =	shalt  }
0x63: {  	_ =	shalt  }
0x64: {  	_ =	shalt  }
0x65: {  	_ =	shalt  }
0x66: {  	_ =	shalt  }
0x67: {  	_ =	shalt  }
0x68: {  	_ =	shalt  }
0x69: {  	_ =	shalt  }
0x6a: {  	_ =	shalt  }
0x6b: {  	_ =	shalt  }
0x6c: {  	_ =	shalt  }
0x6d: {  	_ =	shalt  }
0x6e: {  	_ =	shalt  }
0x6f: {  	_ =	shalt  }
0x70: {  	_ =	shalt  }
0x71: {  	_ =	shalt  }
0x72: {  	_ =	shalt  }
0x73: {  	_ =	shalt  }
0x74: {  	_ =	shalt  }
0x75: {  	_ =	shalt  }
0x76: {  	_ =	shalt  }
0x77: {  	_ =	shalt  }
0x78: {  	_ =	shalt  }
0x79: {  	_ =	shalt  }
0x7a: {  	_ =	shalt  }
0x7b: {  	_ =	shalt  }
0x7c: {  	_ =	shalt  }
0x7d: {  	_ =	shalt  }
0x7e: {  	_ =	shalt  }
0x7f: {  	_ =	shalt  }
0x80: {  	_ =	shalt  }
0x81: {  	_ =	shalt  }
0x82: {  	_ =	shalt  }
0x83: {  	_ =	shalt  }
0x84: {  	_ =	shalt  }
0x85: {  	_ =	shalt  }
0x86: {  	_ =	shalt  }
0x87: {  	_ =	shalt  }
.Lfunc_end0:
.L_simem_size_0:
called_computation_lowered:
.L_overlay_start_0:
0x88: {  	s2 =	sld [smem:$0x3FD9]  }
0x89: {  	s3 =	sld [smem:$0x3FFE];
	_ =	sdelay $0x1  }
0x8a: {  	s1 =	srdreg.scid  }
0x8b: {  	s0 =	sand.u32 $0x1, s1  }
0x8c: {  	s18 =	sshll.u32 s0, $0xA;
	s2 =	sadd.s32 s3, s2  }
0x8d: {  	s2 =	sadd.s32 s2, s18  }
0x8e: {  	[smem:$0x3FC4] =	sst s2  }
0x8f: {  	_ = 	snop  }
0x90: {  	s2 =	sld [smem:$0x3FC9]  }
0x91: {  	s19 =	sld [smem:$0x3FC8]  }
0x92: {  	s4 =	sld [smem:$0x3FC7]  }
0x93: {  	s5 =	sld [smem:$0x3FC6]  }
0x94: {  	s6 =	sld [smem:$0x3FD0];
	(tm) =	ssettm $0x1  }
0x95: {  	s7 =	sld [smem:$0x3FFB];
	_ =	sdelay $0x3  }
0x96: {  	_ =	strace s7  }
0x97: {  	s7 =	sld [smem:$0x3FFC];
	_ =	sdelay $0x3  }
0x98: {  	_ =	strace s7  }
0x99: {  	s7 =	sld [smem:$0x3FFD];
	_ =	sdelay $0x3  }
0x9a: {  	_ =	strace s7  }
0x9b: {  	_ =	strace $0x8FFFFFFF  }
0x9c: {  	s20 =	sld [smem:$0x3FDB];
	_ =	sdelay $0x1  }
0x9d: {  	s8 =	simm.s32 $_scs_section_size  }
0x9e: {  	s9 =	simm.s32 $_size__tile_overlayer_lowered;
	s10 =	simm.s32 $_tile_overlayer_lowered  }
0x9f: {  	s23 =	simm.s32 $0x1BFF;
	s22 =	sshll.u32 s10, $0x1;
	s7 =	sadd.s32 s8, s20  }
0xa0: {  	s11 =	simm.s32 $0x0;
	s21 =	sshll.u32 s9, $0x1;
	s9 =	sadd.s32 s22, s7  }
0xa1: {  	[timem:s11], [sflag:s23] =	dma.local [hbm:s9], s21  }
0xa2: {  	_ =	swait.ge [sflag:s23], s21  }
0xa3: {  	s8 =	ssub.s32 $0x0, s21;
	[sflag:s23] =	ssyncset.done $0x0  }
0xa4: {  	[sflag:s23] =	ssyncadd.s32 s8;
	_ =	sdelay $0x1  }
0xa5: {  	s24 =	simm.s32 $0x1B8B  }
0xa6: {  	_ =	swait.ge [sflag:s24], $0x1  }
0xa7: {  	[sflag:s24] =	ssyncset.done $0x0  }
0xa8: {  	s25 =	simm.s32 $0x1B8E;
	[sflag:s24] =	ssyncadd.s32 $0xFFFFFFFF  }
0xa9: {  	s26 =	simm.s32 $execute0_lowered;
	[smem:$0x3FD2] =	sst s25  }
0xaa: {  	s8 =	sshll.u32 s26, $0x1;
	_ =	strace $0x80000046;
	[dreg:$0x1] =	wrdreg $0xFFFFFFFF  }
0xab: {  	s28 =	simm.s32 $_size_execute0_lowered;
	s7 =	sadd.s32 s7, s8;
	[dreg:$0x0] =	wrdreg $0x0  }
0xac: {  	s8 =	sshll.u32 s28, $0x1;
	[dreg:$0x2] =	wrdreg s7  }
0xad: {  	[dreg:$0x3] =	wrdreg s8  }
0xae: {  	[dreg:$0x4] =	wrdreg $0xC0  }
0xaf: {  	_ =	task [dreg:s11], $0x5FFFF  }
0xb0: {  	[dreg:$0x1] =	wrdreg $0xFFFFFFFF  }
0xb1: {  	[dreg:$0x0] =	wrdreg $0x60  }
0xb2: {  	[dreg:$0x2] =	wrdreg s2  }
0xb3: {  	[dreg:$0x3] =	wrdreg s19  }
0xb4: {  	[dreg:$0x4] =	wrdreg s4  }
0xb5: {  	[dreg:$0x5] =	wrdreg s5  }
0xb6: {  	[dreg:$0x6] =	wrdreg s6  }
0xb7: {  	[dreg:$0x7] =	wrdreg $0x9  }
0xb8: {  	_ =	task.clear_ibuf [dreg:s11], $0x8FFFF;
	_ =	strace $0x90000046  }
0xb9: {  	s29 =	simm.s32 $0x9;
	_ =	strace $0x80000048  }
0xba: {  	_ =	swait.ge [sflag:s29], $0x1  }
0xbb: {  	[sflag:s29] =	ssyncadd.s32 $0xFFFFFFFF  }
0xbc: {  	_ =	strace $0x90000048  }
0xbd: {  	_ =	sfence  }
0xbe: {  	s30 =	sld [smem:$0x0];
	_ =	sdelay $0x2  }
0xbf: {  	s31 =	sshll.u32 s1, $0xD;
	s1 =	sshrl.u32 s1, $0x2  }
0xc0: {  	s3 =	sand.u32 $0x4000, s31;
	s1 =	sadd.s32 s1, s30  }
0xc1: {  	s0 =	sor.u32 s3, s0;
	s1 =	sshll.u32 s1, $0x11  }
0xc2: {  	s0 =	sor.u32 s1, s0  }
0xc3: {  	s0 =	sadd.s32 $0x8F2B, s0  }
0xc4: {  	[sflag:s0] =	ssyncadd.remote.s32 $0x1  }
0xc5: {  	_ =	sfence.sel $0xFFFF  }
0xc6: {  	[dreg:$0x0] =	wrdreg $0xFFFFFFFF;
	(pc) =	sbr.abs _section_cstart, $3  }
0xc7: {  	[dreg:$0x1] =	wrdreg $0xFFFFFFFF  }
0xc8: {  	_ =	task.clear_ibuf [dreg:s11], $0x2FFFF;
	_ =	strace $0x9FFFFFFF  }
0xc9: {  	(tm) =	ssettm $0x7FFFFFFF  }
tec
execute0_lowered:
.L_overlay_start_1:
0x0: {  	(tag) =	ssettag $0x1  }
0x1: {  	s1 =	rddreg [dreg:$0x0]  }
0x2: {  	s2 =	rddreg [dreg:$0x1]  }
0x3: {  	s0 =	rddreg [dreg:$0x2]  }
0x4: {  	s3 =	rddreg [dreg:$0x3]  }
0x5: {  	s5 =	rddreg [dreg:$0x4];
	s4 =	srdreg.scid  }
0x6: {  	s7 =	stileid.u32;
	s31 =	simm.s32 $0x100;
	s15 =	simm.s32 $0x1  }
0x7: {  	s16 =	simm.s32 $0x3;
	s6 =	sand.u32 $0x1, s4;
	s4 =	simm.s32 $0x0  }
0x8: {  	s7 =	sshll.u32 s7, $0x6;
	s8 =	sshll.u32 s6, $0x5;
	[smem:$0x7FF] =	sst s4  }
0x9: {  	s6 =	ssub.s32 $0x2, s6;
	s7 =	sor.u32 s8, s7;
	_ =	strace $0x80000047  }
0xa: {  	[dreg:$0xf] =	wrdreg s31;
	s8 =	smul.u32 $0x300, s7;
	s0 =	sadd.s32 s0, s7  }
0xb: {  	s9 =	smul.u32 $0x1800, s7;
	s19 =	sadd.s32 s3, s7;
	[dreg:$0x6] =	wrdreg s0  }
0xc: {  	s24 =	sshrl.u32 s6, $0x1;
	s7 =	sadd.s32 $0x200, s1;
	[dreg:$0x7] =	wrdreg s19  }
0xd: {  	s20 =	sadd.s32 s5, s8;
	s22 =	sshrl.u32 s9, $0x3;
	s8 =	sadd.s32 $0x100, s2  }
0xe: {  	s9 =	sadd.s32 $0x200, s2;
	s21 =	sadd.s32 $0xC00, s20;
	[dreg:$0x10] =	wrdreg s20  }
0xf: {  	s23 =	sadd.s32 $0x1800, s20;
	s3 =	sadd.s32 s5, s22;
	[dreg:$0x8] =	wrdreg s21  }
0x10: {  	s5 =	ssub.s32 s6, s24;
	[dreg:$0x9] =	wrdreg s23;
	s25 =	sadd.s32 $0x2400, s3  }
0x11: {  	s6 =	sadd.s32 $0x100, s1;
	s26 =	sadd.s32 $0x3000, s3;
	[dreg:$0xa] =	wrdreg s25  }
0x12: {  	s24 =	simm.s32 $0x4;
	s28 =	sadd.s32 $0x3C00, s3;
	[dreg:$0xb] =	wrdreg s26  }
0x13: {  	v2 =	vlaneseq.u32;
	s29 =	sadd.s32 $0x4800, s3;
	s30 =	sadd.s32 $0x5400, s3;
	[dreg:$0xc] =	wrdreg s28  }
0x14: {  	vm0 =	vmmov $0xffff;
	v1 =	vshrl.u32 v2, $0x3;
	s10 =	smax.u32 s5, $0x1;
	s23 =	simm.s32 $0x2;
	[dreg:$0xd] =	wrdreg s29  }
0x15: {  	v0 =	vand.u32 $0x7, v2;
	v2 =	vor.u32 $0x8, v2;
	v1 =	vmul.u32 $0x8, v1;
	[dreg:$0xe] =	wrdreg s30;
	s25 =	simm.s32 $0x5;
	s26 =	simm.s32 $0x6  }
.LBB2_1:
0x16: {  	s28 =	rddreg [dreg:$0x6];
	s0 =	simm.s32 $0x7  }
0x17: {  	[tilespmem:s4], [sflag:$0x7] =	stream.linear.gather [hbm4b:s28+s4], $0x100, $0x38;
	[tilespmem:$0x18200] =	vst v63  }
0x18: {  	_ =	swait.ge [sflag:s0], $0x100  }
0x19: {  	s21 =	rddreg [dreg:$0x7];
	[sflag:s0] =	ssyncset.done $0x0  }
0x1a: {  	s29 =	rddreg [dreg:$0xf];
	[sflag:s0] =	ssyncadd.s32 $0xFFFFFF00  }
0x1b: {  	[tilespmem:s29], [sflag:$0x7] =	stream.linear.gather [hbm4b:s21+s4], $0x100, $0x38;
	[tilespmem:$0x18200] =	vst v63  }
0x1c: {  	_ =	swait.ge [sflag:s0], $0x100  }
0x1d: {  	[sflag:s0] =	ssyncset.done $0x0  }
0x1e: {  	[sflag:s0] =	ssyncadd.s32 $0xFFFFFF00  }
0x1f: {  	v3 =	vld [tilespmem:$0x0];
	_ =	sdelay $0x4  }
0x20: {  	v4 =	vshrl.u32 v3, $0x3  }
0x21: {  	v4 =	vmul.u32 $0x30, v4  }
0x22: {  	v3 =	vand.u32 $0x7, v3  }
0x23: {  	v3 =	vor.u32 v3, v4  }
0x24: {  	v4 =	vperm.xlane v3, v0;
	_ =	sdelay $0x1  }
0x25: {  	v4 =	vadd.s32 v1, v4;
	_ =	sdelay $0x3  }
0x26: {  	s22 =	simm.s32 $0x200;
	v3 =	vperm.xlane v3, v2  }
0x27: {  	[tilespmem:s22], [sflag:$0x1] =	stream.indirect_vreg.gather [hbm4b:s1+s4], $0x80, v4, vm0, $0xb8;
	[tilespmem:$0x18200] =	vst v63  }
0x28: {  	s28 =	simm.s32 $0xA00;
	v3 =	vadd.s32 v1, v3  }
0x29: {  	[tilespmem:s28], [sflag:$0x1] =	stream.indirect_vreg.gather [hbm4b:s6+s4], $0x80, v4, vm0, $0xb8;
	[tilespmem:$0x18200] =	vst v63  }
0x2a: {  	s29 =	simm.s32 $0x1200  }
0x2b: {  	[tilespmem:s29], [sflag:$0x1] =	stream.indirect_vreg.gather [hbm4b:s7+s4], $0x80, v4, vm0, $0xb8;
	[tilespmem:$0x18200] =	vst v63  }
0x2c: {  	s30 =	simm.s32 $0x1A00  }
0x2d: {  	[tilespmem:s30], [sflag:$0x1] =	stream.indirect_vreg.gather [hbm4b:s1+s4], $0x80, v3, vm0, $0xb8;
	[tilespmem:$0x18200] =	vst v63  }
0x2e: {  	s31 =	simm.s32 $0x2200  }
0x2f: {  	[tilespmem:s31], [sflag:$0x1] =	stream.indirect_vreg.gather [hbm4b:s6+s4], $0x80, v3, vm0, $0xb8;
	[tilespmem:$0x18200] =	vst v63  }
0x30: {  	s3 =	simm.s32 $0x2A00  }
0x31: {  	[tilespmem:s3], [sflag:$0x1] =	stream.indirect_vreg.gather [hbm4b:s7+s4], $0x80, v3, vm0, $0xb8;
	[tilespmem:$0x18200] =	vst v63  }
0x32: {  	v3 =	vld [tilespmem:$0x10];
	_ =	sdelay $0x4  }
0x33: {  	v33 =	vshrl.u32 v3, $0x3  }
0x34: {  	v4 =	vmul.u32 $0x30, v33  }
0x35: {  	v3 =	vand.u32 $0x7, v3  }
0x36: {  	v3 =	vor.u32 v3, v4  }
0x37: {  	v4 =	vperm.xlane v3, v0;
	_ =	sdelay $0x1  }
0x38: {  	v4 =	vadd.s32 v1, v4;
	_ =	sdelay $0x3  }
0x39: {  	s5 =	simm.s32 $0x3200;
	v3 =	vperm.xlane v3, v2  }
0x3a: {  	[tilespmem:s5], [sflag:$0x1] =	stream.indirect_vreg.gather [hbm4b:s1+s4], $0x80, v4, vm0, $0xb8;
	[tilespmem:$0x18200] =	vst v63  }
0x3b: {  	s11 =	simm.s32 $0x3A00;
	v3 =	vadd.s32 v1, v3  }
0x3c: {  	[tilespmem:s11], [sflag:$0x1] =	stream.indirect_vreg.gather [hbm4b:s6+s4], $0x80, v4, vm0, $0xb8;
	[tilespmem:$0x18200] =	vst v63  }
0x3d: {  	s12 =	simm.s32 $0x4200  }
0x3e: {  	[tilespmem:s12], [sflag:$0x1] =	stream.indirect_vreg.gather [hbm4b:s7+s4], $0x80, v4, vm0, $0xb8;
	[tilespmem:$0x18200] =	vst v63  }
0x3f: {  	s13 =	simm.s32 $0x4A00  }
0x40: {  	[tilespmem:s13], [sflag:$0x1] =	stream.indirect_vreg.gather [hbm4b:s1+s4], $0x80, v3, vm0, $0xb8;
	[tilespmem:$0x18200] =	vst v63  }
0x41: {  	s14 =	simm.s32 $0x5200  }
0x42: {  	[tilespmem:s14], [sflag:$0x1] =	stream.indirect_vreg.gather [hbm4b:s6+s4], $0x80, v3, vm0, $0xb8;
	[tilespmem:$0x18200] =	vst v63  }
0x43: {  	s17 =	simm.s32 $0x5A00  }
0x44: {  	[tilespmem:s17], [sflag:$0x1] =	stream.indirect_vreg.gather [hbm4b:s7+s4], $0x80, v3, vm0, $0xb8;
	[tilespmem:$0x18200] =	vst v63  }
0x45: {  	v3 =	vld [tilespmem:$0x100];
	_ =	sdelay $0x4  }
0x46: {  	v34 =	vshrl.u32 v3, $0x3  }
0x47: {  	v4 =	vmul.u32 $0x30, v34  }
0x48: {  	v3 =	vand.u32 $0x7, v3  }
0x49: {  	v3 =	vor.u32 v3, v4  }
0x4a: {  	v4 =	vperm.xlane v3, v0;
	_ =	sdelay $0x1  }
0x4b: {  	v4 =	vadd.s32 v1, v4;
	_ =	sdelay $0x3  }
0x4c: {  	s18 =	simm.s32 $0xC200;
	v3 =	vperm.xlane v3, v2  }
0x4d: {  	[tilespmem:s18], [sflag:$0x3] =	stream.indirect_vreg.gather [hbm4b:s2+s4], $0x80, v4, vm0, $0xb8;
	[tilespmem:$0x18200] =	vst v63  }
0x4e: {  	s28 =	simm.s32 $0xCA00;
	v3 =	vadd.s32 v1, v3  }
0x4f: {  	[tilespmem:s28], [sflag:$0x3] =	stream.indirect_vreg.gather [hbm4b:s8+s4], $0x80, v4, vm0, $0xb8;
	[tilespmem:$0x18200] =	vst v63  }
0x50: {  	s29 =	simm.s32 $0xD200  }
0x51: {  	[tilespmem:s29], [sflag:$0x3] =	stream.indirect_vreg.gather [hbm4b:s9+s4], $0x80, v4, vm0, $0xb8;
	[tilespmem:$0x18200] =	vst v63  }
0x52: {  	s31 =	simm.s32 $0xDA00  }
0x53: {  	[tilespmem:s31], [sflag:$0x3] =	stream.indirect_vreg.gather [hbm4b:s2+s4], $0x80, v3, vm0, $0xb8;
	[tilespmem:$0x18200] =	vst v63  }
0x54: {  	s13 =	simm.s32 $0xE200  }
0x55: {  	[tilespmem:s13], [sflag:$0x3] =	stream.indirect_vreg.gather [hbm4b:s8+s4], $0x80, v3, vm0, $0xb8;
	[tilespmem:$0x18200] =	vst v63  }
0x56: {  	s14 =	simm.s32 $0xEA00  }
0x57: {  	[tilespmem:s14], [sflag:$0x3] =	stream.indirect_vreg.gather [hbm4b:s9+s4], $0x80, v3, vm0, $0xb8;
	[tilespmem:$0x18200] =	vst v63  }
0x58: {  	v3 =	vld [tilespmem:$0x110];
	_ =	sdelay $0x4  }
0x59: {  	v35 =	vshrl.u32 v3, $0x3  }
0x5a: {  	v4 =	vmul.u32 $0x30, v35  }
0x5b: {  	v3 =	vand.u32 $0x7, v3  }
0x5c: {  	v3 =	vor.u32 v3, v4  }
0x5d: {  	v4 =	vperm.xlane v3, v0;
	_ =	sdelay $0x1  }
0x5e: {  	v4 =	vadd.s32 v1, v4;
	_ =	sdelay $0x3  }
0x5f: {  	s18 =	simm.s32 $0xF200;
	v3 =	vperm.xlane v3, v2  }
0x60: {  	[tilespmem:s18], [sflag:$0x3] =	stream.indirect_vreg.gather [hbm4b:s2+s4], $0x80, v4, vm0, $0xb8;
	[tilespmem:$0x18200] =	vst v63  }
0x61: {  	s28 =	simm.s32 $0xFA00;
	v3 =	vadd.s32 v1, v3  }
0x62: {  	[tilespmem:s28], [sflag:$0x3] =	stream.indirect_vreg.gather [hbm4b:s8+s4], $0x80, v4, vm0, $0xb8;
	[tilespmem:$0x18200] =	vst v63  }
0x63: {  	s29 =	simm.s32 $0x10200  }
0x64: {  	[tilespmem:s29], [sflag:$0x3] =	stream.indirect_vreg.gather [hbm4b:s9+s4], $0x80, v4, vm0, $0xb8;
	[tilespmem:$0x18200] =	vst v63  }
0x65: {  	s31 =	simm.s32 $0x10A00  }
0x66: {  	[tilespmem:s31], [sflag:$0x3] =	stream.indirect_vreg.gather [hbm4b:s2+s4], $0x80, v3, vm0, $0xb8;
	[tilespmem:$0x18200] =	vst v63  }
0x67: {  	s28 =	simm.s32 $0x11200  }
0x68: {  	[tilespmem:s28], [sflag:$0x3] =	stream.indirect_vreg.gather [hbm4b:s8+s4], $0x80, v3, vm0, $0xb8;
	[tilespmem:$0x18200] =	vst v63  }
0x69: {  	s28 =	simm.s32 $0x11A00  }
0x6a: {  	[tilespmem:s28], [sflag:$0x3] =	stream.indirect_vreg.gather [hbm4b:s9+s4], $0x80, v3, vm0, $0xb8;
	[tilespmem:$0x18200] =	vst v63  }
0x6b: {  	_ =	swait.ge [sflag:s15], $0x6000  }
0x6c: {  	[sflag:s15] =	ssyncset.done $0x0  }
0x6d: {  	[sflag:s15] =	ssyncadd.s32 $0xFFFFA000  }
0x6e: {  	_ =	swait.ge [sflag:s16], $0x6000  }
0x6f: {  	[sflag:s16] =	ssyncset.done $0x0  }
0x70: {  	[sflag:s16] =	ssyncadd.s32 $0xFFFFA000  }
0x71: {  	v3 =	vld [tilespmem:$0x20];
	_ =	sdelay $0x4  }
0x72: {  	v36 =	vshrl.u32 v3, $0x3  }
0x73: {  	v4 =	vmul.u32 $0x30, v36  }
0x74: {  	v3 =	vand.u32 $0x7, v3  }
0x75: {  	v3 =	vor.u32 v3, v4  }
0x76: {  	v4 =	vperm.xlane v3, v0;
	_ =	sdelay $0x1  }
0x77: {  	v4 =	vadd.s32 v1, v4;
	_ =	sdelay $0x3  }
0x78: {  	s28 =	simm.s32 $0x6200;
	v3 =	vperm.xlane v3, v2  }
0x79: {  	[tilespmem:s28], [sflag:$0x2] =	stream.indirect_vreg.gather [hbm4b:s1+s4], $0x80, v4, vm0, $0xb8;
	[tilespmem:$0x18200] =	vst v63  }
0x7a: {  	v3 =	vadd.s32 v1, v3;
	s28 =	simm.s32 $0x6A00  }
0x7b: {  	[tilespmem:s28], [sflag:$0x2] =	stream.indirect_vreg.gather [hbm4b:s6+s4], $0x80, v4, vm0, $0xb8;
	[tilespmem:$0x18200] =	vst v63  }
0x7c: {  	s28 =	simm.s32 $0x7200  }
0x7d: {  	[tilespmem:s28], [sflag:$0x2] =	stream.indirect_vreg.gather [hbm4b:s7+s4], $0x80, v4, vm0, $0xb8;
	[tilespmem:$0x18200] =	vst v63  }
0x7e: {  	s28 =	simm.s32 $0x7A00  }
0x7f: {  	[tilespmem:s28], [sflag:$0x2] =	stream.indirect_vreg.gather [hbm4b:s1+s4], $0x80, v3, vm0, $0xb8;
	[tilespmem:$0x18200] =	vst v63  }
0x80: {  	s28 =	simm.s32 $0x8200  }
0x81: {  	[tilespmem:s28], [sflag:$0x2] =	stream.indirect_vreg.gather [hbm4b:s6+s4], $0x80, v3, vm0, $0xb8;
	[tilespmem:$0x18200] =	vst v63  }
0x82: {  	s28 =	simm.s32 $0x8A00  }
0x83: {  	[tilespmem:s28], [sflag:$0x2] =	stream.indirect_vreg.gather [hbm4b:s7+s4], $0x80, v3, vm0, $0xb8;
	[tilespmem:$0x18200] =	vst v63  }
0x84: {  	v3 =	vld [tilespmem:$0x30];
	_ =	sdelay $0x4  }
0x85: {  	v37 =	vshrl.u32 v3, $0x3  }
0x86: {  	v4 =	vmul.u32 $0x30, v37  }
0x87: {  	v3 =	vand.u32 $0x7, v3  }
0x88: {  	v3 =	vor.u32 v3, v4  }
0x89: {  	v4 =	vperm.xlane v3, v0;
	_ =	sdelay $0x1  }
0x8a: {  	v4 =	vadd.s32 v1, v4;
	_ =	sdelay $0x3  }
0x8b: {  	s28 =	simm.s32 $0x9200;
	v3 =	vperm.xlane v3, v2  }
0x8c: {  	[tilespmem:s28], [sflag:$0x2] =	stream.indirect_vreg.gather [hbm4b:s1+s4], $0x80, v4, vm0, $0xb8;
	[tilespmem:$0x18200] =	vst v63  }
0x8d: {  	v3 =	vadd.s32 v1, v3;
	s28 =	simm.s32 $0x9A00  }
0x8e: {  	[tilespmem:s28], [sflag:$0x2] =	stream.indirect_vreg.gather [hbm4b:s6+s4], $0x80, v4, vm0, $0xb8;
	[tilespmem:$0x18200] =	vst v63  }
0x8f: {  	s28 =	simm.s32 $0xA200  }
0x90: {  	[tilespmem:s28], [sflag:$0x2] =	stream.indirect_vreg.gather [hbm4b:s7+s4], $0x80, v4, vm0, $0xb8;
	[tilespmem:$0x18200] =	vst v63  }
0x91: {  	s28 =	simm.s32 $0xAA00  }
0x92: {  	[tilespmem:s28], [sflag:$0x2] =	stream.indirect_vreg.gather [hbm4b:s1+s4], $0x80, v3, vm0, $0xb8;
	[tilespmem:$0x18200] =	vst v63  }
0x93: {  	s28 =	simm.s32 $0xB200  }
0x94: {  	[tilespmem:s28], [sflag:$0x2] =	stream.indirect_vreg.gather [hbm4b:s6+s4], $0x80, v3, vm0, $0xb8;
	[tilespmem:$0x18200] =	vst v63  }
0x95: {  	s28 =	simm.s32 $0xBA00  }
0x96: {  	[tilespmem:s28], [sflag:$0x2] =	stream.indirect_vreg.gather [hbm4b:s7+s4], $0x80, v3, vm0, $0xb8;
	[tilespmem:$0x18200] =	vst v63  }
0x97: {  	v3 =	vld [tilespmem:$0x120];
	_ =	sdelay $0x4  }
0x98: {  	v38 =	vshrl.u32 v3, $0x3  }
0x99: {  	v4 =	vmul.u32 $0x30, v38  }
0x9a: {  	v3 =	vand.u32 $0x7, v3  }
0x9b: {  	v3 =	vor.u32 v3, v4  }
0x9c: {  	v4 =	vperm.xlane v3, v0;
	_ =	sdelay $0x1  }
0x9d: {  	v4 =	vadd.s32 v1, v4;
	_ =	sdelay $0x3  }
0x9e: {  	s28 =	simm.s32 $0x12200;
	v3 =	vperm.xlane v3, v2  }
0x9f: {  	[tilespmem:s28], [sflag:$0x4] =	stream.indirect_vreg.gather [hbm4b:s2+s4], $0x80, v4, vm0, $0xb8;
	[tilespmem:$0x18200] =	vst v63  }
0xa0: {  	v3 =	vadd.s32 v1, v3;
	s28 =	simm.s32 $0x12A00  }
0xa1: {  	[tilespmem:s28], [sflag:$0x4] =	stream.indirect_vreg.gather [hbm4b:s8+s4], $0x80, v4, vm0, $0xb8;
	[tilespmem:$0x18200] =	vst v63  }
0xa2: {  	s28 =	simm.s32 $0x13200  }
0xa3: {  	[tilespmem:s28], [sflag:$0x4] =	stream.indirect_vreg.gather [hbm4b:s9+s4], $0x80, v4, vm0, $0xb8;
	[tilespmem:$0x18200] =	vst v63  }
0xa4: {  	s28 =	simm.s32 $0x13A00  }
0xa5: {  	[tilespmem:s28], [sflag:$0x4] =	stream.indirect_vreg.gather [hbm4b:s2+s4], $0x80, v3, vm0, $0xb8;
	[tilespmem:$0x18200] =	vst v63  }
0xa6: {  	s28 =	simm.s32 $0x14200  }
0xa7: {  	[tilespmem:s28], [sflag:$0x4] =	stream.indirect_vreg.gather [hbm4b:s8+s4], $0x80, v3, vm0, $0xb8;
	[tilespmem:$0x18200] =	vst v63  }
0xa8: {  	s28 =	simm.s32 $0x14A00  }
0xa9: {  	[tilespmem:s28], [sflag:$0x4] =	stream.indirect_vreg.gather [hbm4b:s9+s4], $0x80, v3, vm0, $0xb8;
	[tilespmem:$0x18200] =	vst v63  }
0xaa: {  	v3 =	vld [tilespmem:$0x130];
	_ =	sdelay $0x4  }
0xab: {  	v39 =	vshrl.u32 v3, $0x3  }
0xac: {  	v4 =	vmul.u32 $0x30, v39  }
0xad: {  	v3 =	vand.u32 $0x7, v3  }
0xae: {  	v3 =	vor.u32 v3, v4  }
0xaf: {  	v4 =	vperm.xlane v3, v0;
	_ =	sdelay $0x1  }
0xb0: {  	v4 =	vadd.s32 v1, v4;
	_ =	sdelay $0x3  }
0xb1: {  	s28 =	simm.s32 $0x15200;
	v3 =	vperm.xlane v3, v2  }
0xb2: {  	[tilespmem:s28], [sflag:$0x4] =	stream.indirect_vreg.gather [hbm4b:s2+s4], $0x80, v4, vm0, $0xb8;
	[tilespmem:$0x18200] =	vst v63  }
0xb3: {  	v3 =	vadd.s32 v1, v3;
	s28 =	simm.s32 $0x15A00  }
0xb4: {  	[tilespmem:s28], [sflag:$0x4] =	stream.indirect_vreg.gather [hbm4b:s8+s4], $0x80, v4, vm0, $0xb8;
	[tilespmem:$0x18200] =	vst v63  }
0xb5: {  	s28 =	simm.s32 $0x16200  }
0xb6: {  	[tilespmem:s28], [sflag:$0x4] =	stream.indirect_vreg.gather [hbm4b:s9+s4], $0x80, v4, vm0, $0xb8;
	[tilespmem:$0x18200] =	vst v63  }
0xb7: {  	s28 =	simm.s32 $0x16A00  }
0xb8: {  	[tilespmem:s28], [sflag:$0x4] =	stream.indirect_vreg.gather [hbm4b:s2+s4], $0x80, v3, vm0, $0xb8;
	[tilespmem:$0x18200] =	vst v63  }
0xb9: {  	s28 =	simm.s32 $0x17200  }
0xba: {  	[tilespmem:s28], [sflag:$0x4] =	stream.indirect_vreg.gather [hbm4b:s8+s4], $0x80, v3, vm0, $0xb8;
	[tilespmem:$0x18200] =	vst v63  }
0xbb: {  	s0 =	simm.s32 $0x17A00  }
0xbc: {  	[tilespmem:s0], [sflag:$0x4] =	stream.indirect_vreg.gather [hbm4b:s9+s4], $0x80, v3, vm0, $0xb8;
	[tilespmem:$0x18200] =	vst v63  }
0xbd: {  	s28 =	rddreg [dreg:$0x10];
	s0 =	simm.s32 $0x200  }
0xbe: {  	[hbm4b:s28+s4] =	stream.linear.scatter [tilespmem:s0], [sflag:$0x5], $0x6000, $0x38;
	[tilespmem:$0x18200] =	vst v63  }
0xbf: {  	_ =	swait.ge [sflag:s23], $0x6000  }
0xc0: {  	[sflag:s23] =	ssyncset.done $0x0  }
0xc1: {  	[sflag:s23] =	ssyncadd.s32 $0xFFFFA000  }
0xc2: {  	_ =	swait.ge [sflag:s24], $0x6000  }
0xc3: {  	[sflag:s24] =	ssyncset.done $0x0  }
0xc4: {  	[sflag:s24] =	ssyncadd.s32 $0xFFFFA000  }
0xc5: {  	_ =	swait.ge [sflag:s25], $0x6000  }
0xc6: {  	[sflag:s25] =	ssyncset.done $0x0  }
0xc7: {  	[sflag:s25] =	ssyncadd.s32 $0xFFFFA000  }
0xc8: {  	v3 =	vld [tilespmem:$0x40];
	_ =	sdelay $0x4  }
0xc9: {  	v40 =	vshrl.u32 v3, $0x3  }
0xca: {  	v4 =	vmul.u32 $0x30, v40  }
0xcb: {  	v3 =	vand.u32 $0x7, v3  }
0xcc: {  	v3 =	vor.u32 v3, v4  }
0xcd: {  	v4 =	vperm.xlane v3, v0;
	_ =	sdelay $0x1  }
0xce: {  	v4 =	vadd.s32 v1, v4;
	_ =	sdelay $0x3  }
0xcf: {  	v3 =	vperm.xlane v3, v2  }
0xd0: {  	[tilespmem:s0], [sflag:$0x1] =	stream.indirect_vreg.gather [hbm4b:s1+s4], $0x80, v4, vm0, $0xb8;
	[tilespmem:$0x18200] =	vst v63  }
0xd1: {  	s28 =	simm.s32 $0xA00;
	v3 =	vadd.s32 v1, v3  }
0xd2: {  	[tilespmem:s28], [sflag:$0x1] =	stream.indirect_vreg.gather [hbm4b:s6+s4], $0x80, v4, vm0, $0xb8;
	[tilespmem:$0x18200] =	vst v63  }
0xd3: {  	s28 =	simm.s32 $0x1200  }
0xd4: {  	[tilespmem:s28], [sflag:$0x1] =	stream.indirect_vreg.gather [hbm4b:s7+s4], $0x80, v4, vm0, $0xb8;
	[tilespmem:$0x18200] =	vst v63  }
0xd5: {  	s28 =	simm.s32 $0x1A00  }
0xd6: {  	[tilespmem:s28], [sflag:$0x1] =	stream.indirect_vreg.gather [hbm4b:s1+s4], $0x80, v3, vm0, $0xb8;
	[tilespmem:$0x18200] =	vst v63  }
0xd7: {  	s19 =	simm.s32 $0x2200  }
0xd8: {  	[tilespmem:s19], [sflag:$0x1] =	stream.indirect_vreg.gather [hbm4b:s6+s4], $0x80, v3, vm0, $0xb8;
	[tilespmem:$0x18200] =	vst v63  }
0xd9: {  	s3 =	simm.s32 $0x2A00  }
0xda: {  	[tilespmem:s3], [sflag:$0x1] =	stream.indirect_vreg.gather [hbm4b:s7+s4], $0x80, v3, vm0, $0xb8;
	[tilespmem:$0x18200] =	vst v63  }
0xdb: {  	v3 =	vld [tilespmem:$0x50];
	_ =	sdelay $0x4  }
0xdc: {  	v41 =	vshrl.u32 v3, $0x3  }
0xdd: {  	v4 =	vmul.u32 $0x30, v41  }
0xde: {  	v3 =	vand.u32 $0x7, v3  }
0xdf: {  	v3 =	vor.u32 v3, v4  }
0xe0: {  	v4 =	vperm.xlane v3, v0;
	_ =	sdelay $0x1  }
0xe1: {  	v4 =	vadd.s32 v1, v4;
	_ =	sdelay $0x3  }
0xe2: {  	s5 =	simm.s32 $0x3200;
	v3 =	vperm.xlane v3, v2  }
0xe3: {  	[tilespmem:s5], [sflag:$0x1] =	stream.indirect_vreg.gather [hbm4b:s1+s4], $0x80, v4, vm0, $0xb8;
	[tilespmem:$0x18200] =	vst v63  }
0xe4: {  	s20 =	simm.s32 $0x3A00;
	v3 =	vadd.s32 v1, v3  }
0xe5: {  	[tilespmem:s20], [sflag:$0x1] =	stream.indirect_vreg.gather [hbm4b:s6+s4], $0x80, v4, vm0, $0xb8;
	[tilespmem:$0x18200] =	vst v63  }
0xe6: {  	s21 =	simm.s32 $0x4200  }
0xe7: {  	[tilespmem:s21], [sflag:$0x1] =	stream.indirect_vreg.gather [hbm4b:s7+s4], $0x80, v4, vm0, $0xb8;
	[tilespmem:$0x18200] =	vst v63  }
0xe8: {  	s22 =	simm.s32 $0x4A00  }
0xe9: {  	[tilespmem:s22], [sflag:$0x1] =	stream.indirect_vreg.gather [hbm4b:s1+s4], $0x80, v3, vm0, $0xb8;
	[tilespmem:$0x18200] =	vst v63  }
0xea: {  	s30 =	simm.s32 $0x5200  }
0xeb: {  	[tilespmem:s30], [sflag:$0x1] =	stream.indirect_vreg.gather [hbm4b:s6+s4], $0x80, v3, vm0, $0xb8;
	[tilespmem:$0x18200] =	vst v63  }
0xec: {  	s11 =	simm.s32 $0x5A00  }
0xed: {  	[tilespmem:s11], [sflag:$0x1] =	stream.indirect_vreg.gather [hbm4b:s7+s4], $0x80, v3, vm0, $0xb8;
	[tilespmem:$0x18200] =	vst v63  }
0xee: {  	v3 =	vld [tilespmem:$0x140];
	_ =	sdelay $0x4  }
0xef: {  	v42 =	vshrl.u32 v3, $0x3  }
0xf0: {  	v4 =	vmul.u32 $0x30, v42  }
0xf1: {  	v3 =	vand.u32 $0x7, v3  }
0xf2: {  	v3 =	vor.u32 v3, v4  }
0xf3: {  	v4 =	vperm.xlane v3, v0;
	_ =	sdelay $0x1  }
0xf4: {  	v4 =	vadd.s32 v1, v4;
	_ =	sdelay $0x3  }
0xf5: {  	s12 =	simm.s32 $0xC200;
	v3 =	vperm.xlane v3, v2  }
0xf6: {  	[tilespmem:s12], [sflag:$0x3] =	stream.indirect_vreg.gather [hbm4b:s2+s4], $0x80, v4, vm0, $0xb8;
	[tilespmem:$0x18200] =	vst v63  }
0xf7: {  	s5 =	simm.s32 $0xCA00;
	v3 =	vadd.s32 v1, v3  }
0xf8: {  	[tilespmem:s5], [sflag:$0x3] =	stream.indirect_vreg.gather [hbm4b:s8+s4], $0x80, v4, vm0, $0xb8;
	[tilespmem:$0x18200] =	vst v63  }
0xf9: {  	s11 =	simm.s32 $0xD200  }
0xfa: {  	[tilespmem:s11], [sflag:$0x3] =	stream.indirect_vreg.gather [hbm4b:s9+s4], $0x80, v4, vm0, $0xb8;
	[tilespmem:$0x18200] =	vst v63  }
0xfb: {  	s12 =	simm.s32 $0xDA00  }
0xfc: {  	[tilespmem:s12], [sflag:$0x3] =	stream.indirect_vreg.gather [hbm4b:s2+s4], $0x80, v3, vm0, $0xb8;
	[tilespmem:$0x18200] =	vst v63  }
0xfd: {  	s17 =	simm.s32 $0xE200  }
0xfe: {  	[tilespmem:s17], [sflag:$0x3] =	stream.indirect_vreg.gather [hbm4b:s8+s4], $0x80, v3, vm0, $0xb8;
	[tilespmem:$0x18200] =	vst v63  }
0xff: {  	s13 =	simm.s32 $0xEA00  }
0x100: {  	[tilespmem:s13], [sflag:$0x3] =	stream.indirect_vreg.gather [hbm4b:s9+s4], $0x80, v3, vm0, $0xb8;
	[tilespmem:$0x18200] =	vst v63  }
0x101: {  	v3 =	vld [tilespmem:$0x150];
	_ =	sdelay $0x4  }
0x102: {  	v43 =	vshrl.u32 v3, $0x3  }
0x103: {  	v4 =	vmul.u32 $0x30, v43  }
0x104: {  	v3 =	vand.u32 $0x7, v3  }
0x105: {  	v3 =	vor.u32 v3, v4  }
0x106: {  	v4 =	vperm.xlane v3, v0;
	_ =	sdelay $0x1  }
0x107: {  	v4 =	vadd.s32 v1, v4;
	_ =	sdelay $0x3  }
0x108: {  	s14 =	simm.s32 $0xF200;
	v3 =	vperm.xlane v3, v2  }
0x109: {  	[tilespmem:s14], [sflag:$0x3] =	stream.indirect_vreg.gather [hbm4b:s2+s4], $0x80, v4, vm0, $0xb8;
	[tilespmem:$0x18200] =	vst v63  }
0x10a: {  	s18 =	simm.s32 $0xFA00;
	v3 =	vadd.s32 v1, v3  }
0x10b: {  	[tilespmem:s18], [sflag:$0x3] =	stream.indirect_vreg.gather [hbm4b:s8+s4], $0x80, v4, vm0, $0xb8;
	[tilespmem:$0x18200] =	vst v63  }
0x10c: {  	s29 =	simm.s32 $0x10200  }
0x10d: {  	[tilespmem:s29], [sflag:$0x3] =	stream.indirect_vreg.gather [hbm4b:s9+s4], $0x80, v4, vm0, $0xb8;
	[tilespmem:$0x18200] =	vst v63  }
0x10e: {  	s31 =	simm.s32 $0x10A00  }
0x10f: {  	[tilespmem:s31], [sflag:$0x3] =	stream.indirect_vreg.gather [hbm4b:s2+s4], $0x80, v3, vm0, $0xb8;
	[tilespmem:$0x18200] =	vst v63  }
0x110: {  	s18 =	simm.s32 $0x11200  }
0x111: {  	[tilespmem:s18], [sflag:$0x3] =	stream.indirect_vreg.gather [hbm4b:s8+s4], $0x80, v3, vm0, $0xb8;
	[tilespmem:$0x18200] =	vst v63  }
0x112: {  	s20 =	simm.s32 $0x11A00  }
0x113: {  	[tilespmem:s20], [sflag:$0x3] =	stream.indirect_vreg.gather [hbm4b:s9+s4], $0x80, v3, vm0, $0xb8;
	[tilespmem:$0x18200] =	vst v63  }
0x114: {  	s19 =	rddreg [dreg:$0x8];
	s21 =	simm.s32 $0x6200  }
0x115: {  	[hbm4b:s19+s4] =	stream.linear.scatter [tilespmem:s21], [sflag:$0x6], $0x6000, $0x38;
	[tilespmem:$0x18200] =	vst v63  }
0x116: {  	_ =	swait.ge [sflag:s15], $0x6000  }
0x117: {  	[sflag:s15] =	ssyncset.done $0x0  }
0x118: {  	[sflag:s15] =	ssyncadd.s32 $0xFFFFA000  }
0x119: {  	_ =	swait.ge [sflag:s16], $0x6000  }
0x11a: {  	[sflag:s16] =	ssyncset.done $0x0  }
0x11b: {  	[sflag:s16] =	ssyncadd.s32 $0xFFFFA000  }
0x11c: {  	_ =	swait.ge [sflag:s26], $0x6000  }
0x11d: {  	[sflag:s26] =	ssyncset.done $0x0  }
0x11e: {  	[sflag:s26] =	ssyncadd.s32 $0xFFFFA000  }
0x11f: {  	v3 =	vld [tilespmem:$0x60];
	_ =	sdelay $0x4  }
0x120: {  	v44 =	vshrl.u32 v3, $0x3  }
0x121: {  	v4 =	vmul.u32 $0x30, v44  }
0x122: {  	v3 =	vand.u32 $0x7, v3  }
0x123: {  	v3 =	vor.u32 v3, v4  }
0x124: {  	v4 =	vperm.xlane v3, v0;
	_ =	sdelay $0x1  }
0x125: {  	v4 =	vadd.s32 v1, v4;
	_ =	sdelay $0x3  }
0x126: {  	v3 =	vperm.xlane v3, v2  }
0x127: {  	[tilespmem:s21], [sflag:$0x2] =	stream.indirect_vreg.gather [hbm4b:s1+s4], $0x80, v4, vm0, $0xb8;
	[tilespmem:$0x18200] =	vst v63  }
0x128: {  	s22 =	simm.s32 $0x6A00;
	v3 =	vadd.s32 v1, v3  }
0x129: {  	[tilespmem:s22], [sflag:$0x2] =	stream.indirect_vreg.gather [hbm4b:s6+s4], $0x80, v4, vm0, $0xb8;
	[tilespmem:$0x18200] =	vst v63  }
0x12a: {  	s3 =	simm.s32 $0x7200  }
0x12b: {  	[tilespmem:s3], [sflag:$0x2] =	stream.indirect_vreg.gather [hbm4b:s7+s4], $0x80, v4, vm0, $0xb8;
	[tilespmem:$0x18200] =	vst v63  }
0x12c: {  	s5 =	simm.s32 $0x7A00  }
0x12d: {  	[tilespmem:s5], [sflag:$0x2] =	stream.indirect_vreg.gather [hbm4b:s1+s4], $0x80, v3, vm0, $0xb8;
	[tilespmem:$0x18200] =	vst v63  }
0x12e: {  	s11 =	simm.s32 $0x8200  }
0x12f: {  	[tilespmem:s11], [sflag:$0x2] =	stream.indirect_vreg.gather [hbm4b:s6+s4], $0x80, v3, vm0, $0xb8;
	[tilespmem:$0x18200] =	vst v63  }
0x130: {  	s28 =	simm.s32 $0x8A00  }
0x131: {  	[tilespmem:s28], [sflag:$0x2] =	stream.indirect_vreg.gather [hbm4b:s7+s4], $0x80, v3, vm0, $0xb8;
	[tilespmem:$0x18200] =	vst v63  }
0x132: {  	v3 =	vld [tilespmem:$0x70];
	_ =	sdelay $0x4  }
0x133: {  	v45 =	vshrl.u32 v3, $0x3  }
0x134: {  	v4 =	vmul.u32 $0x30, v45  }
0x135: {  	v3 =	vand.u32 $0x7, v3  }
0x136: {  	v3 =	vor.u32 v3, v4  }
0x137: {  	v4 =	vperm.xlane v3, v0;
	_ =	sdelay $0x1  }
0x138: {  	v4 =	vadd.s32 v1, v4;
	_ =	sdelay $0x3  }
0x139: {  	s29 =	simm.s32 $0x9200;
	v3 =	vperm.xlane v3, v2  }
0x13a: {  	[tilespmem:s29], [sflag:$0x2] =	stream.indirect_vreg.gather [hbm4b:s1+s4], $0x80, v4, vm0, $0xb8;
	[tilespmem:$0x18200] =	vst v63  }
0x13b: {  	s12 =	simm.s32 $0x9A00;
	v3 =	vadd.s32 v1, v3  }
0x13c: {  	[tilespmem:s12], [sflag:$0x2] =	stream.indirect_vreg.gather [hbm4b:s6+s4], $0x80, v4, vm0, $0xb8;
	[tilespmem:$0x18200] =	vst v63  }
0x13d: {  	s13 =	simm.s32 $0xA200  }
0x13e: {  	[tilespmem:s13], [sflag:$0x2] =	stream.indirect_vreg.gather [hbm4b:s7+s4], $0x80, v4, vm0, $0xb8;
	[tilespmem:$0x18200] =	vst v63  }
0x13f: {  	s14 =	simm.s32 $0xAA00  }
0x140: {  	[tilespmem:s14], [sflag:$0x2] =	stream.indirect_vreg.gather [hbm4b:s1+s4], $0x80, v3, vm0, $0xb8;
	[tilespmem:$0x18200] =	vst v63  }
0x141: {  	s19 =	simm.s32 $0xB200  }
0x142: {  	[tilespmem:s19], [sflag:$0x2] =	stream.indirect_vreg.gather [hbm4b:s6+s4], $0x80, v3, vm0, $0xb8;
	[tilespmem:$0x18200] =	vst v63  }
0x143: {  	s30 =	simm.s32 $0xBA00  }
0x144: {  	[tilespmem:s30], [sflag:$0x2] =	stream.indirect_vreg.gather [hbm4b:s7+s4], $0x80, v3, vm0, $0xb8;
	[tilespmem:$0x18200] =	vst v63  }
0x145: {  	v3 =	vld [tilespmem:$0x160];
	_ =	sdelay $0x4  }
0x146: {  	v46 =	vshrl.u32 v3, $0x3  }
0x147: {  	v4 =	vmul.u32 $0x30, v46  }
0x148: {  	v3 =	vand.u32 $0x7, v3  }
0x149: {  	v3 =	vor.u32 v3, v4  }
0x14a: {  	v4 =	vperm.xlane v3, v0;
	_ =	sdelay $0x1  }
0x14b: {  	v4 =	vadd.s32 v1, v4;
	_ =	sdelay $0x3  }
0x14c: {  	s31 =	simm.s32 $0x12200;
	v3 =	vperm.xlane v3, v2  }
0x14d: {  	[tilespmem:s31], [sflag:$0x4] =	stream.indirect_vreg.gather [hbm4b:s2+s4], $0x80, v4, vm0, $0xb8;
	[tilespmem:$0x18200] =	vst v63  }
0x14e: {  	s20 =	simm.s32 $0x12A00;
	v3 =	vadd.s32 v1, v3  }
0x14f: {  	[tilespmem:s20], [sflag:$0x4] =	stream.indirect_vreg.gather [hbm4b:s8+s4], $0x80, v4, vm0, $0xb8;
	[tilespmem:$0x18200] =	vst v63  }
0x150: {  	s21 =	simm.s32 $0x13200  }
0x151: {  	[tilespmem:s21], [sflag:$0x4] =	stream.indirect_vreg.gather [hbm4b:s9+s4], $0x80, v4, vm0, $0xb8;
	[tilespmem:$0x18200] =	vst v63  }
0x152: {  	s22 =	simm.s32 $0x13A00  }
0x153: {  	[tilespmem:s22], [sflag:$0x4] =	stream.indirect_vreg.gather [hbm4b:s2+s4], $0x80, v3, vm0, $0xb8;
	[tilespmem:$0x18200] =	vst v63  }
0x154: {  	s30 =	simm.s32 $0x14200  }
0x155: {  	[tilespmem:s30], [sflag:$0x4] =	stream.indirect_vreg.gather [hbm4b:s8+s4], $0x80, v3, vm0, $0xb8;
	[tilespmem:$0x18200] =	vst v63  }
0x156: {  	s17 =	simm.s32 $0x14A00  }
0x157: {  	[tilespmem:s17], [sflag:$0x4] =	stream.indirect_vreg.gather [hbm4b:s9+s4], $0x80, v3, vm0, $0xb8;
	[tilespmem:$0x18200] =	vst v63  }
0x158: {  	v3 =	vld [tilespmem:$0x170];
	_ =	sdelay $0x4  }
0x159: {  	v47 =	vshrl.u32 v3, $0x3  }
0x15a: {  	v4 =	vmul.u32 $0x30, v47  }
0x15b: {  	v3 =	vand.u32 $0x7, v3  }
0x15c: {  	v3 =	vor.u32 v3, v4  }
0x15d: {  	v4 =	vperm.xlane v3, v0;
	_ =	sdelay $0x1  }
0x15e: {  	v4 =	vadd.s32 v1, v4;
	_ =	sdelay $0x3  }
0x15f: {  	s18 =	simm.s32 $0x15200;
	v3 =	vperm.xlane v3, v2  }
0x160: {  	[tilespmem:s18], [sflag:$0x4] =	stream.indirect_vreg.gather [hbm4b:s2+s4], $0x80, v4, vm0, $0xb8;
	[tilespmem:$0x18200] =	vst v63  }
0x161: {  	s31 =	simm.s32 $0x15A00;
	v3 =	vadd.s32 v1, v3  }
0x162: {  	[tilespmem:s31], [sflag:$0x4] =	stream.indirect_vreg.gather [hbm4b:s8+s4], $0x80, v4, vm0, $0xb8;
	[tilespmem:$0x18200] =	vst v63  }
0x163: {  	s18 =	simm.s32 $0x16200  }
0x164: {  	[tilespmem:s18], [sflag:$0x4] =	stream.indirect_vreg.gather [hbm4b:s9+s4], $0x80, v4, vm0, $0xb8;
	[tilespmem:$0x18200] =	vst v63  }
0x165: {  	s17 =	simm.s32 $0x16A00  }
0x166: {  	[tilespmem:s17], [sflag:$0x4] =	stream.indirect_vreg.gather [hbm4b:s2+s4], $0x80, v3, vm0, $0xb8;
	[tilespmem:$0x18200] =	vst v63  }
0x167: {  	s29 =	simm.s32 $0x17200  }
0x168: {  	[tilespmem:s29], [sflag:$0x4] =	stream.indirect_vreg.gather [hbm4b:s8+s4], $0x80, v3, vm0, $0xb8;
	[tilespmem:$0x18200] =	vst v63  }
0x169: {  	s0 =	simm.s32 $0x17A00  }
0x16a: {  	[tilespmem:s0], [sflag:$0x4] =	stream.indirect_vreg.gather [hbm4b:s9+s4], $0x80, v3, vm0, $0xb8;
	[tilespmem:$0x18200] =	vst v63  }
0x16b: {  	s28 =	rddreg [dreg:$0x9];
	s0 =	simm.s32 $0x200  }
0x16c: {  	[hbm4b:s28+s4] =	stream.linear.scatter [tilespmem:s0], [sflag:$0x5], $0x6000, $0x38;
	[tilespmem:$0x18200] =	vst v63  }
0x16d: {  	_ =	swait.ge [sflag:s23], $0x6000  }
0x16e: {  	[sflag:s23] =	ssyncset.done $0x0  }
0x16f: {  	[sflag:s23] =	ssyncadd.s32 $0xFFFFA000  }
0x170: {  	_ =	swait.ge [sflag:s24], $0x6000  }
0x171: {  	[sflag:s24] =	ssyncset.done $0x0  }
0x172: {  	[sflag:s24] =	ssyncadd.s32 $0xFFFFA000  }
0x173: {  	_ =	swait.ge [sflag:s25], $0x6000  }
0x174: {  	[sflag:s25] =	ssyncset.done $0x0  }
0x175: {  	[sflag:s25] =	ssyncadd.s32 $0xFFFFA000  }
0x176: {  	v3 =	vld [tilespmem:$0x80];
	_ =	sdelay $0x4  }
0x177: {  	v48 =	vshrl.u32 v3, $0x3  }
0x178: {  	v4 =	vmul.u32 $0x30, v48  }
0x179: {  	v3 =	vand.u32 $0x7, v3  }
0x17a: {  	v3 =	vor.u32 v3, v4  }
0x17b: {  	v4 =	vperm.xlane v3, v0;
	_ =	sdelay $0x1  }
0x17c: {  	v4 =	vadd.s32 v1, v4;
	_ =	sdelay $0x3  }
0x17d: {  	v3 =	vperm.xlane v3, v2  }
0x17e: {  	[tilespmem:s0], [sflag:$0x1] =	stream.indirect_vreg.gather [hbm4b:s1+s4], $0x80, v4, vm0, $0xb8;
	[tilespmem:$0x18200] =	vst v63  }
0x17f: {  	s28 =	simm.s32 $0xA00;
	v3 =	vadd.s32 v1, v3  }
0x180: {  	[tilespmem:s28], [sflag:$0x1] =	stream.indirect_vreg.gather [hbm4b:s6+s4], $0x80, v4, vm0, $0xb8;
	[tilespmem:$0x18200] =	vst v63  }
0x181: {  	s28 =	simm.s32 $0x1200  }
0x182: {  	[tilespmem:s28], [sflag:$0x1] =	stream.indirect_vreg.gather [hbm4b:s7+s4], $0x80, v4, vm0, $0xb8;
	[tilespmem:$0x18200] =	vst v63  }
0x183: {  	s28 =	simm.s32 $0x1A00  }
0x184: {  	[tilespmem:s28], [sflag:$0x1] =	stream.indirect_vreg.gather [hbm4b:s1+s4], $0x80, v3, vm0, $0xb8;
	[tilespmem:$0x18200] =	vst v63  }
0x185: {  	s28 =	simm.s32 $0x2200  }
0x186: {  	[tilespmem:s28], [sflag:$0x1] =	stream.indirect_vreg.gather [hbm4b:s6+s4], $0x80, v3, vm0, $0xb8;
	[tilespmem:$0x18200] =	vst v63  }
0x187: {  	s28 =	simm.s32 $0x2A00  }
0x188: {  	[tilespmem:s28], [sflag:$0x1] =	stream.indirect_vreg.gather [hbm4b:s7+s4], $0x80, v3, vm0, $0xb8;
	[tilespmem:$0x18200] =	vst v63  }
0x189: {  	v3 =	vld [tilespmem:$0x90];
	_ =	sdelay $0x4  }
0x18a: {  	v49 =	vshrl.u32 v3, $0x3  }
0x18b: {  	v4 =	vmul.u32 $0x30, v49  }
0x18c: {  	v3 =	vand.u32 $0x7, v3  }
0x18d: {  	v3 =	vor.u32 v3, v4  }
0x18e: {  	v4 =	vperm.xlane v3, v0;
	_ =	sdelay $0x1  }
0x18f: {  	v4 =	vadd.s32 v1, v4;
	_ =	sdelay $0x3  }
0x190: {  	s28 =	simm.s32 $0x3200;
	v3 =	vperm.xlane v3, v2  }
0x191: {  	[tilespmem:s28], [sflag:$0x1] =	stream.indirect_vreg.gather [hbm4b:s1+s4], $0x80, v4, vm0, $0xb8;
	[tilespmem:$0x18200] =	vst v63  }
0x192: {  	v3 =	vadd.s32 v1, v3;
	s28 =	simm.s32 $0x3A00  }
0x193: {  	[tilespmem:s28], [sflag:$0x1] =	stream.indirect_vreg.gather [hbm4b:s6+s4], $0x80, v4, vm0, $0xb8;
	[tilespmem:$0x18200] =	vst v63  }
0x194: {  	s28 =	simm.s32 $0x4200  }
0x195: {  	[tilespmem:s28], [sflag:$0x1] =	stream.indirect_vreg.gather [hbm4b:s7+s4], $0x80, v4, vm0, $0xb8;
	[tilespmem:$0x18200] =	vst v63  }
0x196: {  	s28 =	simm.s32 $0x4A00  }
0x197: {  	[tilespmem:s28], [sflag:$0x1] =	stream.indirect_vreg.gather [hbm4b:s1+s4], $0x80, v3, vm0, $0xb8;
	[tilespmem:$0x18200] =	vst v63  }
0x198: {  	s28 =	simm.s32 $0x5200  }
0x199: {  	[tilespmem:s28], [sflag:$0x1] =	stream.indirect_vreg.gather [hbm4b:s6+s4], $0x80, v3, vm0, $0xb8;
	[tilespmem:$0x18200] =	vst v63  }
0x19a: {  	s28 =	simm.s32 $0x5A00  }
0x19b: {  	[tilespmem:s28], [sflag:$0x1] =	stream.indirect_vreg.gather [hbm4b:s7+s4], $0x80, v3, vm0, $0xb8;
	[tilespmem:$0x18200] =	vst v63  }
0x19c: {  	v3 =	vld [tilespmem:$0x180];
	_ =	sdelay $0x4  }
0x19d: {  	v50 =	vshrl.u32 v3, $0x3  }
0x19e: {  	v4 =	vmul.u32 $0x30, v50  }
0x19f: {  	v3 =	vand.u32 $0x7, v3  }
0x1a0: {  	v3 =	vor.u32 v3, v4  }
0x1a1: {  	v4 =	vperm.xlane v3, v0;
	_ =	sdelay $0x1  }
0x1a2: {  	v4 =	vadd.s32 v1, v4;
	_ =	sdelay $0x3  }
0x1a3: {  	s28 =	simm.s32 $0xC200;
	v3 =	vperm.xlane v3, v2  }
0x1a4: {  	[tilespmem:s28], [sflag:$0x3] =	stream.indirect_vreg.gather [hbm4b:s2+s4], $0x80, v4, vm0, $0xb8;
	[tilespmem:$0x18200] =	vst v63  }
0x1a5: {  	v3 =	vadd.s32 v1, v3;
	s28 =	simm.s32 $0xCA00  }
0x1a6: {  	[tilespmem:s28], [sflag:$0x3] =	stream.indirect_vreg.gather [hbm4b:s8+s4], $0x80, v4, vm0, $0xb8;
	[tilespmem:$0x18200] =	vst v63  }
0x1a7: {  	s28 =	simm.s32 $0xD200  }
0x1a8: {  	[tilespmem:s28], [sflag:$0x3] =	stream.indirect_vreg.gather [hbm4b:s9+s4], $0x80, v4, vm0, $0xb8;
	[tilespmem:$0x18200] =	vst v63  }
0x1a9: {  	s28 =	simm.s32 $0xDA00  }
0x1aa: {  	[tilespmem:s28], [sflag:$0x3] =	stream.indirect_vreg.gather [hbm4b:s2+s4], $0x80, v3, vm0, $0xb8;
	[tilespmem:$0x18200] =	vst v63  }
0x1ab: {  	s28 =	simm.s32 $0xE200  }
0x1ac: {  	[tilespmem:s28], [sflag:$0x3] =	stream.indirect_vreg.gather [hbm4b:s8+s4], $0x80, v3, vm0, $0xb8;
	[tilespmem:$0x18200] =	vst v63  }
0x1ad: {  	s28 =	simm.s32 $0xEA00  }
0x1ae: {  	[tilespmem:s28], [sflag:$0x3] =	stream.indirect_vreg.gather [hbm4b:s9+s4], $0x80, v3, vm0, $0xb8;
	[tilespmem:$0x18200] =	vst v63  }
0x1af: {  	v3 =	vld [tilespmem:$0x190];
	_ =	sdelay $0x4  }
0x1b0: {  	v51 =	vshrl.u32 v3, $0x3  }
0x1b1: {  	v4 =	vmul.u32 $0x30, v51  }
0x1b2: {  	v3 =	vand.u32 $0x7, v3  }
0x1b3: {  	v3 =	vor.u32 v3, v4  }
0x1b4: {  	v4 =	vperm.xlane v3, v0;
	_ =	sdelay $0x1  }
0x1b5: {  	v4 =	vadd.s32 v1, v4;
	_ =	sdelay $0x3  }
0x1b6: {  	s28 =	simm.s32 $0xF200;
	v3 =	vperm.xlane v3, v2  }
0x1b7: {  	[tilespmem:s28], [sflag:$0x3] =	stream.indirect_vreg.gather [hbm4b:s2+s4], $0x80, v4, vm0, $0xb8;
	[tilespmem:$0x18200] =	vst v63  }
0x1b8: {  	v3 =	vadd.s32 v1, v3;
	s28 =	simm.s32 $0xFA00  }
0x1b9: {  	[tilespmem:s28], [sflag:$0x3] =	stream.indirect_vreg.gather [hbm4b:s8+s4], $0x80, v4, vm0, $0xb8;
	[tilespmem:$0x18200] =	vst v63  }
0x1ba: {  	s28 =	simm.s32 $0x10200  }
0x1bb: {  	[tilespmem:s28], [sflag:$0x3] =	stream.indirect_vreg.gather [hbm4b:s9+s4], $0x80, v4, vm0, $0xb8;
	[tilespmem:$0x18200] =	vst v63  }
0x1bc: {  	s28 =	simm.s32 $0x10A00  }
0x1bd: {  	[tilespmem:s28], [sflag:$0x3] =	stream.indirect_vreg.gather [hbm4b:s2+s4], $0x80, v3, vm0, $0xb8;
	[tilespmem:$0x18200] =	vst v63  }
0x1be: {  	s28 =	simm.s32 $0x11200  }
0x1bf: {  	[tilespmem:s28], [sflag:$0x3] =	stream.indirect_vreg.gather [hbm4b:s8+s4], $0x80, v3, vm0, $0xb8;
	[tilespmem:$0x18200] =	vst v63  }
0x1c0: {  	s0 =	simm.s32 $0x11A00  }
0x1c1: {  	[tilespmem:s0], [sflag:$0x3] =	stream.indirect_vreg.gather [hbm4b:s9+s4], $0x80, v3, vm0, $0xb8;
	[tilespmem:$0x18200] =	vst v63  }
0x1c2: {  	s28 =	rddreg [dreg:$0xa];
	s0 =	simm.s32 $0x6200  }
0x1c3: {  	[hbm4b:s28+s4] =	stream.linear.scatter [tilespmem:s0], [sflag:$0x6], $0x6000, $0x38;
	[tilespmem:$0x18200] =	vst v63  }
0x1c4: {  	_ =	swait.ge [sflag:s15], $0x6000  }
0x1c5: {  	[sflag:s15] =	ssyncset.done $0x0  }
0x1c6: {  	[sflag:s15] =	ssyncadd.s32 $0xFFFFA000  }
0x1c7: {  	_ =	swait.ge [sflag:s16], $0x6000  }
0x1c8: {  	[sflag:s16] =	ssyncset.done $0x0  }
0x1c9: {  	[sflag:s16] =	ssyncadd.s32 $0xFFFFA000  }
0x1ca: {  	_ =	swait.ge [sflag:s26], $0x6000  }
0x1cb: {  	[sflag:s26] =	ssyncset.done $0x0  }
0x1cc: {  	[sflag:s26] =	ssyncadd.s32 $0xFFFFA000  }
0x1cd: {  	v3 =	vld [tilespmem:$0xA0];
	_ =	sdelay $0x4  }
0x1ce: {  	v52 =	vshrl.u32 v3, $0x3  }
0x1cf: {  	v4 =	vmul.u32 $0x30, v52  }
0x1d0: {  	v3 =	vand.u32 $0x7, v3  }
0x1d1: {  	v3 =	vor.u32 v3, v4  }
0x1d2: {  	v4 =	vperm.xlane v3, v0;
	_ =	sdelay $0x1  }
0x1d3: {  	v4 =	vadd.s32 v1, v4;
	_ =	sdelay $0x3  }
0x1d4: {  	v3 =	vperm.xlane v3, v2  }
0x1d5: {  	[tilespmem:s0], [sflag:$0x2] =	stream.indirect_vreg.gather [hbm4b:s1+s4], $0x80, v4, vm0, $0xb8;
	[tilespmem:$0x18200] =	vst v63  }
0x1d6: {  	s28 =	simm.s32 $0x6A00;
	v3 =	vadd.s32 v1, v3  }
0x1d7: {  	[tilespmem:s28], [sflag:$0x2] =	stream.indirect_vreg.gather [hbm4b:s6+s4], $0x80, v4, vm0, $0xb8;
	[tilespmem:$0x18200] =	vst v63  }
0x1d8: {  	_ = 	snop  }
0x1d9: {  	[tilespmem:s3], [sflag:$0x2] =	stream.indirect_vreg.gather [hbm4b:s7+s4], $0x80, v4, vm0, $0xb8;
	[tilespmem:$0x18200] =	vst v63  }
0x1da: {  	_ = 	snop  }
0x1db: {  	[tilespmem:s5], [sflag:$0x2] =	stream.indirect_vreg.gather [hbm4b:s1+s4], $0x80, v3, vm0, $0xb8;
	[tilespmem:$0x18200] =	vst v63  }
0x1dc: {  	_ = 	snop  }
0x1dd: {  	[tilespmem:s11], [sflag:$0x2] =	stream.indirect_vreg.gather [hbm4b:s6+s4], $0x80, v3, vm0, $0xb8;
	[tilespmem:$0x18200] =	vst v63  }
0x1de: {  	s5 =	simm.s32 $0x8A00  }
0x1df: {  	[tilespmem:s5], [sflag:$0x2] =	stream.indirect_vreg.gather [hbm4b:s7+s4], $0x80, v3, vm0, $0xb8;
	[tilespmem:$0x18200] =	vst v63  }
0x1e0: {  	v3 =	vld [tilespmem:$0xB0];
	_ =	sdelay $0x4  }
0x1e1: {  	v53 =	vshrl.u32 v3, $0x3  }
0x1e2: {  	v4 =	vmul.u32 $0x30, v53  }
0x1e3: {  	v3 =	vand.u32 $0x7, v3  }
0x1e4: {  	v3 =	vor.u32 v3, v4  }
0x1e5: {  	v4 =	vperm.xlane v3, v0;
	_ =	sdelay $0x1  }
0x1e6: {  	v4 =	vadd.s32 v1, v4;
	_ =	sdelay $0x3  }
0x1e7: {  	s3 =	simm.s32 $0x9200;
	v3 =	vperm.xlane v3, v2  }
0x1e8: {  	[tilespmem:s3], [sflag:$0x2] =	stream.indirect_vreg.gather [hbm4b:s1+s4], $0x80, v4, vm0, $0xb8;
	[tilespmem:$0x18200] =	vst v63  }
0x1e9: {  	v3 =	vadd.s32 v1, v3  }
0x1ea: {  	[tilespmem:s12], [sflag:$0x2] =	stream.indirect_vreg.gather [hbm4b:s6+s4], $0x80, v4, vm0, $0xb8;
	[tilespmem:$0x18200] =	vst v63  }
0x1eb: {  	_ = 	snop  }
0x1ec: {  	[tilespmem:s13], [sflag:$0x2] =	stream.indirect_vreg.gather [hbm4b:s7+s4], $0x80, v4, vm0, $0xb8;
	[tilespmem:$0x18200] =	vst v63  }
0x1ed: {  	_ = 	snop  }
0x1ee: {  	[tilespmem:s14], [sflag:$0x2] =	stream.indirect_vreg.gather [hbm4b:s1+s4], $0x80, v3, vm0, $0xb8;
	[tilespmem:$0x18200] =	vst v63  }
0x1ef: {  	_ = 	snop  }
0x1f0: {  	[tilespmem:s19], [sflag:$0x2] =	stream.indirect_vreg.gather [hbm4b:s6+s4], $0x80, v3, vm0, $0xb8;
	[tilespmem:$0x18200] =	vst v63  }
0x1f1: {  	s11 =	simm.s32 $0xBA00  }
0x1f2: {  	[tilespmem:s11], [sflag:$0x2] =	stream.indirect_vreg.gather [hbm4b:s7+s4], $0x80, v3, vm0, $0xb8;
	[tilespmem:$0x18200] =	vst v63  }
0x1f3: {  	v3 =	vld [tilespmem:$0x1A0];
	_ =	sdelay $0x4  }
0x1f4: {  	v54 =	vshrl.u32 v3, $0x3  }
0x1f5: {  	v4 =	vmul.u32 $0x30, v54  }
0x1f6: {  	v3 =	vand.u32 $0x7, v3  }
0x1f7: {  	v3 =	vor.u32 v3, v4  }
0x1f8: {  	v4 =	vperm.xlane v3, v0;
	_ =	sdelay $0x1  }
0x1f9: {  	v4 =	vadd.s32 v1, v4;
	_ =	sdelay $0x3  }
0x1fa: {  	s13 =	simm.s32 $0x12200;
	v3 =	vperm.xlane v3, v2  }
0x1fb: {  	[tilespmem:s13], [sflag:$0x4] =	stream.indirect_vreg.gather [hbm4b:s2+s4], $0x80, v4, vm0, $0xb8;
	[tilespmem:$0x18200] =	vst v63  }
0x1fc: {  	v3 =	vadd.s32 v1, v3  }
0x1fd: {  	[tilespmem:s20], [sflag:$0x4] =	stream.indirect_vreg.gather [hbm4b:s8+s4], $0x80, v4, vm0, $0xb8;
	[tilespmem:$0x18200] =	vst v63  }
0x1fe: {  	_ = 	snop  }
0x1ff: {  	[tilespmem:s21], [sflag:$0x4] =	stream.indirect_vreg.gather [hbm4b:s9+s4], $0x80, v4, vm0, $0xb8;
	[tilespmem:$0x18200] =	vst v63  }
0x200: {  	_ = 	snop  }
0x201: {  	[tilespmem:s22], [sflag:$0x4] =	stream.indirect_vreg.gather [hbm4b:s2+s4], $0x80, v3, vm0, $0xb8;
	[tilespmem:$0x18200] =	vst v63  }
0x202: {  	_ = 	snop  }
0x203: {  	[tilespmem:s30], [sflag:$0x4] =	stream.indirect_vreg.gather [hbm4b:s8+s4], $0x80, v3, vm0, $0xb8;
	[tilespmem:$0x18200] =	vst v63  }
0x204: {  	s3 =	simm.s32 $0x14A00  }
0x205: {  	[tilespmem:s3], [sflag:$0x4] =	stream.indirect_vreg.gather [hbm4b:s9+s4], $0x80, v3, vm0, $0xb8;
	[tilespmem:$0x18200] =	vst v63  }
0x206: {  	v3 =	vld [tilespmem:$0x1B0];
	_ =	sdelay $0x4  }
0x207: {  	v55 =	vshrl.u32 v3, $0x3  }
0x208: {  	v4 =	vmul.u32 $0x30, v55  }
0x209: {  	v3 =	vand.u32 $0x7, v3  }
0x20a: {  	v3 =	vor.u32 v3, v4  }
0x20b: {  	v4 =	vperm.xlane v3, v0;
	_ =	sdelay $0x1  }
0x20c: {  	v4 =	vadd.s32 v1, v4;
	_ =	sdelay $0x3  }
0x20d: {  	s11 =	simm.s32 $0x15200;
	v3 =	vperm.xlane v3, v2  }
0x20e: {  	[tilespmem:s11], [sflag:$0x4] =	stream.indirect_vreg.gather [hbm4b:s2+s4], $0x80, v4, vm0, $0xb8;
	[tilespmem:$0x18200] =	vst v63  }
0x20f: {  	v3 =	vadd.s32 v1, v3  }
0x210: {  	[tilespmem:s31], [sflag:$0x4] =	stream.indirect_vreg.gather [hbm4b:s8+s4], $0x80, v4, vm0, $0xb8;
	[tilespmem:$0x18200] =	vst v63  }
0x211: {  	_ = 	snop  }
0x212: {  	[tilespmem:s18], [sflag:$0x4] =	stream.indirect_vreg.gather [hbm4b:s9+s4], $0x80, v4, vm0, $0xb8;
	[tilespmem:$0x18200] =	vst v63  }
0x213: {  	_ = 	snop  }
0x214: {  	[tilespmem:s17], [sflag:$0x4] =	stream.indirect_vreg.gather [hbm4b:s2+s4], $0x80, v3, vm0, $0xb8;
	[tilespmem:$0x18200] =	vst v63  }
0x215: {  	_ = 	snop  }
0x216: {  	[tilespmem:s29], [sflag:$0x4] =	stream.indirect_vreg.gather [hbm4b:s8+s4], $0x80, v3, vm0, $0xb8;
	[tilespmem:$0x18200] =	vst v63  }
0x217: {  	s31 =	simm.s32 $0x17A00  }
0x218: {  	[tilespmem:s31], [sflag:$0x4] =	stream.indirect_vreg.gather [hbm4b:s9+s4], $0x80, v3, vm0, $0xb8;
	[tilespmem:$0x18200] =	vst v63  }
0x219: {  	s0 =	simm.s32 $0x200;
	s12 =	rddreg [dreg:$0xb]  }
0x21a: {  	[hbm4b:s12+s4] =	stream.linear.scatter [tilespmem:s0], [sflag:$0x5], $0x6000, $0x38;
	[tilespmem:$0x18200] =	vst v63  }
0x21b: {  	_ =	swait.ge [sflag:s23], $0x6000  }
0x21c: {  	[sflag:s23] =	ssyncset.done $0x0  }
0x21d: {  	[sflag:s23] =	ssyncadd.s32 $0xFFFFA000  }
0x21e: {  	_ =	swait.ge [sflag:s24], $0x6000  }
0x21f: {  	[sflag:s24] =	ssyncset.done $0x0  }
0x220: {  	[sflag:s24] =	ssyncadd.s32 $0xFFFFA000  }
0x221: {  	_ =	swait.ge [sflag:s25], $0x6000  }
0x222: {  	[sflag:s25] =	ssyncset.done $0x0  }
0x223: {  	[sflag:s25] =	ssyncadd.s32 $0xFFFFA000  }
0x224: {  	v3 =	vld [tilespmem:$0xC0];
	_ =	sdelay $0x4  }
0x225: {  	v56 =	vshrl.u32 v3, $0x3  }
0x226: {  	v4 =	vmul.u32 $0x30, v56  }
0x227: {  	v3 =	vand.u32 $0x7, v3  }
0x228: {  	v3 =	vor.u32 v3, v4  }
0x229: {  	v4 =	vperm.xlane v3, v0;
	_ =	sdelay $0x1  }
0x22a: {  	v4 =	vadd.s32 v1, v4;
	_ =	sdelay $0x3  }
0x22b: {  	v3 =	vperm.xlane v3, v2  }
0x22c: {  	[tilespmem:s0], [sflag:$0x1] =	stream.indirect_vreg.gather [hbm4b:s1+s4], $0x80, v4, vm0, $0xb8;
	[tilespmem:$0x18200] =	vst v63  }
0x22d: {  	s28 =	simm.s32 $0xA00;
	v3 =	vadd.s32 v1, v3  }
0x22e: {  	[tilespmem:s28], [sflag:$0x1] =	stream.indirect_vreg.gather [hbm4b:s6+s4], $0x80, v4, vm0, $0xb8;
	[tilespmem:$0x18200] =	vst v63  }
0x22f: {  	s28 =	simm.s32 $0x1200  }
0x230: {  	[tilespmem:s28], [sflag:$0x1] =	stream.indirect_vreg.gather [hbm4b:s7+s4], $0x80, v4, vm0, $0xb8;
	[tilespmem:$0x18200] =	vst v63  }
0x231: {  	s28 =	simm.s32 $0x1A00  }
0x232: {  	[tilespmem:s28], [sflag:$0x1] =	stream.indirect_vreg.gather [hbm4b:s1+s4], $0x80, v3, vm0, $0xb8;
	[tilespmem:$0x18200] =	vst v63  }
0x233: {  	s28 =	simm.s32 $0x2200  }
0x234: {  	[tilespmem:s28], [sflag:$0x1] =	stream.indirect_vreg.gather [hbm4b:s6+s4], $0x80, v3, vm0, $0xb8;
	[tilespmem:$0x18200] =	vst v63  }
0x235: {  	s28 =	simm.s32 $0x2A00  }
0x236: {  	[tilespmem:s28], [sflag:$0x1] =	stream.indirect_vreg.gather [hbm4b:s7+s4], $0x80, v3, vm0, $0xb8;
	[tilespmem:$0x18200] =	vst v63  }
0x237: {  	v3 =	vld [tilespmem:$0xD0];
	_ =	sdelay $0x4  }
0x238: {  	v57 =	vshrl.u32 v3, $0x3  }
0x239: {  	v4 =	vmul.u32 $0x30, v57  }
0x23a: {  	v3 =	vand.u32 $0x7, v3  }
0x23b: {  	v3 =	vor.u32 v3, v4  }
0x23c: {  	v4 =	vperm.xlane v3, v0;
	_ =	sdelay $0x1  }
0x23d: {  	v4 =	vadd.s32 v1, v4;
	_ =	sdelay $0x3  }
0x23e: {  	s28 =	simm.s32 $0x3200;
	v3 =	vperm.xlane v3, v2  }
0x23f: {  	[tilespmem:s28], [sflag:$0x1] =	stream.indirect_vreg.gather [hbm4b:s1+s4], $0x80, v4, vm0, $0xb8;
	[tilespmem:$0x18200] =	vst v63  }
0x240: {  	v3 =	vadd.s32 v1, v3;
	s28 =	simm.s32 $0x3A00  }
0x241: {  	[tilespmem:s28], [sflag:$0x1] =	stream.indirect_vreg.gather [hbm4b:s6+s4], $0x80, v4, vm0, $0xb8;
	[tilespmem:$0x18200] =	vst v63  }
0x242: {  	s28 =	simm.s32 $0x4200  }
0x243: {  	[tilespmem:s28], [sflag:$0x1] =	stream.indirect_vreg.gather [hbm4b:s7+s4], $0x80, v4, vm0, $0xb8;
	[tilespmem:$0x18200] =	vst v63  }
0x244: {  	s28 =	simm.s32 $0x4A00  }
0x245: {  	[tilespmem:s28], [sflag:$0x1] =	stream.indirect_vreg.gather [hbm4b:s1+s4], $0x80, v3, vm0, $0xb8;
	[tilespmem:$0x18200] =	vst v63  }
0x246: {  	s28 =	simm.s32 $0x5200  }
0x247: {  	[tilespmem:s28], [sflag:$0x1] =	stream.indirect_vreg.gather [hbm4b:s6+s4], $0x80, v3, vm0, $0xb8;
	[tilespmem:$0x18200] =	vst v63  }
0x248: {  	s28 =	simm.s32 $0x5A00  }
0x249: {  	[tilespmem:s28], [sflag:$0x1] =	stream.indirect_vreg.gather [hbm4b:s7+s4], $0x80, v3, vm0, $0xb8;
	[tilespmem:$0x18200] =	vst v63  }
0x24a: {  	v3 =	vld [tilespmem:$0x1C0];
	_ =	sdelay $0x4  }
0x24b: {  	v58 =	vshrl.u32 v3, $0x3  }
0x24c: {  	v4 =	vmul.u32 $0x30, v58  }
0x24d: {  	v3 =	vand.u32 $0x7, v3  }
0x24e: {  	v3 =	vor.u32 v3, v4  }
0x24f: {  	v4 =	vperm.xlane v3, v0;
	_ =	sdelay $0x1  }
0x250: {  	v4 =	vadd.s32 v1, v4;
	_ =	sdelay $0x3  }
0x251: {  	s28 =	simm.s32 $0xC200;
	v3 =	vperm.xlane v3, v2  }
0x252: {  	[tilespmem:s28], [sflag:$0x3] =	stream.indirect_vreg.gather [hbm4b:s2+s4], $0x80, v4, vm0, $0xb8;
	[tilespmem:$0x18200] =	vst v63  }
0x253: {  	v3 =	vadd.s32 v1, v3;
	s28 =	simm.s32 $0xCA00  }
0x254: {  	[tilespmem:s28], [sflag:$0x3] =	stream.indirect_vreg.gather [hbm4b:s8+s4], $0x80, v4, vm0, $0xb8;
	[tilespmem:$0x18200] =	vst v63  }
0x255: {  	s28 =	simm.s32 $0xD200  }
0x256: {  	[tilespmem:s28], [sflag:$0x3] =	stream.indirect_vreg.gather [hbm4b:s9+s4], $0x80, v4, vm0, $0xb8;
	[tilespmem:$0x18200] =	vst v63  }
0x257: {  	s28 =	simm.s32 $0xDA00  }
0x258: {  	[tilespmem:s28], [sflag:$0x3] =	stream.indirect_vreg.gather [hbm4b:s2+s4], $0x80, v3, vm0, $0xb8;
	[tilespmem:$0x18200] =	vst v63  }
0x259: {  	s28 =	simm.s32 $0xE200  }
0x25a: {  	[tilespmem:s28], [sflag:$0x3] =	stream.indirect_vreg.gather [hbm4b:s8+s4], $0x80, v3, vm0, $0xb8;
	[tilespmem:$0x18200] =	vst v63  }
0x25b: {  	s28 =	simm.s32 $0xEA00  }
0x25c: {  	[tilespmem:s28], [sflag:$0x3] =	stream.indirect_vreg.gather [hbm4b:s9+s4], $0x80, v3, vm0, $0xb8;
	[tilespmem:$0x18200] =	vst v63  }
0x25d: {  	v3 =	vld [tilespmem:$0x1D0];
	_ =	sdelay $0x4  }
0x25e: {  	v59 =	vshrl.u32 v3, $0x3  }
0x25f: {  	v4 =	vmul.u32 $0x30, v59  }
0x260: {  	v3 =	vand.u32 $0x7, v3  }
0x261: {  	v3 =	vor.u32 v3, v4  }
0x262: {  	v4 =	vperm.xlane v3, v0;
	_ =	sdelay $0x1  }
0x263: {  	v4 =	vadd.s32 v1, v4;
	_ =	sdelay $0x3  }
0x264: {  	s28 =	simm.s32 $0xF200;
	v3 =	vperm.xlane v3, v2  }
0x265: {  	[tilespmem:s28], [sflag:$0x3] =	stream.indirect_vreg.gather [hbm4b:s2+s4], $0x80, v4, vm0, $0xb8;
	[tilespmem:$0x18200] =	vst v63  }
0x266: {  	v3 =	vadd.s32 v1, v3;
	s28 =	simm.s32 $0xFA00  }
0x267: {  	[tilespmem:s28], [sflag:$0x3] =	stream.indirect_vreg.gather [hbm4b:s8+s4], $0x80, v4, vm0, $0xb8;
	[tilespmem:$0x18200] =	vst v63  }
0x268: {  	s28 =	simm.s32 $0x10200  }
0x269: {  	[tilespmem:s28], [sflag:$0x3] =	stream.indirect_vreg.gather [hbm4b:s9+s4], $0x80, v4, vm0, $0xb8;
	[tilespmem:$0x18200] =	vst v63  }
0x26a: {  	s28 =	simm.s32 $0x10A00  }
0x26b: {  	[tilespmem:s28], [sflag:$0x3] =	stream.indirect_vreg.gather [hbm4b:s2+s4], $0x80, v3, vm0, $0xb8;
	[tilespmem:$0x18200] =	vst v63  }
0x26c: {  	s28 =	simm.s32 $0x11200  }
0x26d: {  	[tilespmem:s28], [sflag:$0x3] =	stream.indirect_vreg.gather [hbm4b:s8+s4], $0x80, v3, vm0, $0xb8;
	[tilespmem:$0x18200] =	vst v63  }
0x26e: {  	s0 =	simm.s32 $0x11A00  }
0x26f: {  	[tilespmem:s0], [sflag:$0x3] =	stream.indirect_vreg.gather [hbm4b:s9+s4], $0x80, v3, vm0, $0xb8;
	[tilespmem:$0x18200] =	vst v63  }
0x270: {  	s28 =	rddreg [dreg:$0xc];
	s0 =	simm.s32 $0x6200  }
0x271: {  	[hbm4b:s28+s4] =	stream.linear.scatter [tilespmem:s0], [sflag:$0x6], $0x6000, $0x38;
	[tilespmem:$0x18200] =	vst v63  }
0x272: {  	_ =	swait.ge [sflag:s15], $0x6000  }
0x273: {  	[sflag:s15] =	ssyncset.done $0x0  }
0x274: {  	[sflag:s15] =	ssyncadd.s32 $0xFFFFA000  }
0x275: {  	_ =	swait.ge [sflag:s16], $0x6000  }
0x276: {  	[sflag:s16] =	ssyncset.done $0x0  }
0x277: {  	[sflag:s16] =	ssyncadd.s32 $0xFFFFA000  }
0x278: {  	_ =	swait.ge [sflag:s26], $0x6000  }
0x279: {  	[sflag:s26] =	ssyncset.done $0x0  }
0x27a: {  	[sflag:s26] =	ssyncadd.s32 $0xFFFFA000  }
0x27b: {  	v3 =	vld [tilespmem:$0xE0];
	_ =	sdelay $0x4  }
0x27c: {  	v60 =	vshrl.u32 v3, $0x3  }
0x27d: {  	v4 =	vmul.u32 $0x30, v60  }
0x27e: {  	v3 =	vand.u32 $0x7, v3  }
0x27f: {  	v3 =	vor.u32 v3, v4  }
0x280: {  	v4 =	vperm.xlane v3, v0;
	_ =	sdelay $0x1  }
0x281: {  	v4 =	vadd.s32 v1, v4;
	_ =	sdelay $0x3  }
0x282: {  	v3 =	vperm.xlane v3, v2  }
0x283: {  	[tilespmem:s0], [sflag:$0x2] =	stream.indirect_vreg.gather [hbm4b:s1+s4], $0x80, v4, vm0, $0xb8;
	[tilespmem:$0x18200] =	vst v63  }
0x284: {  	s28 =	simm.s32 $0x6A00;
	v3 =	vadd.s32 v1, v3  }
0x285: {  	[tilespmem:s28], [sflag:$0x2] =	stream.indirect_vreg.gather [hbm4b:s6+s4], $0x80, v4, vm0, $0xb8;
	[tilespmem:$0x18200] =	vst v63  }
0x286: {  	s28 =	simm.s32 $0x7200  }
0x287: {  	[tilespmem:s28], [sflag:$0x2] =	stream.indirect_vreg.gather [hbm4b:s7+s4], $0x80, v4, vm0, $0xb8;
	[tilespmem:$0x18200] =	vst v63  }
0x288: {  	s28 =	simm.s32 $0x7A00  }
0x289: {  	[tilespmem:s28], [sflag:$0x2] =	stream.indirect_vreg.gather [hbm4b:s1+s4], $0x80, v3, vm0, $0xb8;
	[tilespmem:$0x18200] =	vst v63  }
0x28a: {  	s28 =	simm.s32 $0x8200  }
0x28b: {  	[tilespmem:s28], [sflag:$0x2] =	stream.indirect_vreg.gather [hbm4b:s6+s4], $0x80, v3, vm0, $0xb8;
	[tilespmem:$0x18200] =	vst v63  }
0x28c: {  	_ = 	snop  }
0x28d: {  	[tilespmem:s5], [sflag:$0x2] =	stream.indirect_vreg.gather [hbm4b:s7+s4], $0x80, v3, vm0, $0xb8;
	[tilespmem:$0x18200] =	vst v63  }
0x28e: {  	v3 =	vld [tilespmem:$0xF0];
	_ =	sdelay $0x4  }
0x28f: {  	v61 =	vshrl.u32 v3, $0x3  }
0x290: {  	v4 =	vmul.u32 $0x30, v61  }
0x291: {  	v3 =	vand.u32 $0x7, v3  }
0x292: {  	v3 =	vor.u32 v3, v4  }
0x293: {  	v4 =	vperm.xlane v3, v0;
	_ =	sdelay $0x1  }
0x294: {  	v4 =	vadd.s32 v1, v4;
	_ =	sdelay $0x3  }
0x295: {  	s28 =	simm.s32 $0x9200;
	v3 =	vperm.xlane v3, v2  }
0x296: {  	[tilespmem:s28], [sflag:$0x2] =	stream.indirect_vreg.gather [hbm4b:s1+s4], $0x80, v4, vm0, $0xb8;
	[tilespmem:$0x18200] =	vst v63  }
0x297: {  	v3 =	vadd.s32 v1, v3;
	s28 =	simm.s32 $0x9A00  }
0x298: {  	[tilespmem:s28], [sflag:$0x2] =	stream.indirect_vreg.gather [hbm4b:s6+s4], $0x80, v4, vm0, $0xb8;
	[tilespmem:$0x18200] =	vst v63  }
0x299: {  	s28 =	simm.s32 $0xA200  }
0x29a: {  	[tilespmem:s28], [sflag:$0x2] =	stream.indirect_vreg.gather [hbm4b:s7+s4], $0x80, v4, vm0, $0xb8;
	[tilespmem:$0x18200] =	vst v63  }
0x29b: {  	s14 =	simm.s32 $0xAA00  }
0x29c: {  	[tilespmem:s14], [sflag:$0x2] =	stream.indirect_vreg.gather [hbm4b:s1+s4], $0x80, v3, vm0, $0xb8;
	[tilespmem:$0x18200] =	vst v63  }
0x29d: {  	s14 =	simm.s32 $0xB200  }
0x29e: {  	[tilespmem:s14], [sflag:$0x2] =	stream.indirect_vreg.gather [hbm4b:s6+s4], $0x80, v3, vm0, $0xb8;
	[tilespmem:$0x18200] =	vst v63  }
0x29f: {  	s28 =	simm.s32 $0xBA00  }
0x2a0: {  	[tilespmem:s28], [sflag:$0x2] =	stream.indirect_vreg.gather [hbm4b:s7+s4], $0x80, v3, vm0, $0xb8;
	[tilespmem:$0x18200] =	vst v63  }
0x2a1: {  	v3 =	vld [tilespmem:$0x1E0];
	_ =	sdelay $0x4  }
0x2a2: {  	v62 =	vshrl.u32 v3, $0x3  }
0x2a3: {  	v4 =	vmul.u32 $0x30, v62  }
0x2a4: {  	v3 =	vand.u32 $0x7, v3  }
0x2a5: {  	v3 =	vor.u32 v3, v4  }
0x2a6: {  	v4 =	vperm.xlane v3, v0;
	_ =	sdelay $0x1  }
0x2a7: {  	v4 =	vadd.s32 v1, v4;
	_ =	sdelay $0x3  }
0x2a8: {  	v3 =	vperm.xlane v3, v2  }
0x2a9: {  	[tilespmem:s13], [sflag:$0x4] =	stream.indirect_vreg.gather [hbm4b:s2+s4], $0x80, v4, vm0, $0xb8;
	[tilespmem:$0x18200] =	vst v63  }
0x2aa: {  	s19 =	simm.s32 $0x12A00;
	v3 =	vadd.s32 v1, v3  }
0x2ab: {  	[tilespmem:s19], [sflag:$0x4] =	stream.indirect_vreg.gather [hbm4b:s8+s4], $0x80, v4, vm0, $0xb8;
	[tilespmem:$0x18200] =	vst v63  }
0x2ac: {  	s20 =	simm.s32 $0x13200  }
0x2ad: {  	[tilespmem:s20], [sflag:$0x4] =	stream.indirect_vreg.gather [hbm4b:s9+s4], $0x80, v4, vm0, $0xb8;
	[tilespmem:$0x18200] =	vst v63  }
0x2ae: {  	s21 =	simm.s32 $0x13A00  }
0x2af: {  	[tilespmem:s21], [sflag:$0x4] =	stream.indirect_vreg.gather [hbm4b:s2+s4], $0x80, v3, vm0, $0xb8;
	[tilespmem:$0x18200] =	vst v63  }
0x2b0: {  	s22 =	simm.s32 $0x14200  }
0x2b1: {  	[tilespmem:s22], [sflag:$0x4] =	stream.indirect_vreg.gather [hbm4b:s8+s4], $0x80, v3, vm0, $0xb8;
	[tilespmem:$0x18200] =	vst v63  }
0x2b2: {  	_ = 	snop  }
0x2b3: {  	[tilespmem:s3], [sflag:$0x4] =	stream.indirect_vreg.gather [hbm4b:s9+s4], $0x80, v3, vm0, $0xb8;
	[tilespmem:$0x18200] =	vst v63  }
0x2b4: {  	v3 =	vld [tilespmem:$0x1F0];
	_ =	sdelay $0x4  }
0x2b5: {  	v63 =	vshrl.u32 v3, $0x3  }
0x2b6: {  	v4 =	vmul.u32 $0x30, v63  }
0x2b7: {  	v3 =	vand.u32 $0x7, v3  }
0x2b8: {  	v3 =	vor.u32 v3, v4  }
0x2b9: {  	v4 =	vperm.xlane v3, v0;
	_ =	sdelay $0x1  }
0x2ba: {  	v4 =	vadd.s32 v1, v4;
	_ =	sdelay $0x3  }
0x2bb: {  	v3 =	vperm.xlane v3, v2  }
0x2bc: {  	[tilespmem:s11], [sflag:$0x4] =	stream.indirect_vreg.gather [hbm4b:s2+s4], $0x80, v4, vm0, $0xb8;
	[tilespmem:$0x18200] =	vst v63  }
0x2bd: {  	s30 =	simm.s32 $0x15A00;
	v3 =	vadd.s32 v1, v3  }
0x2be: {  	[tilespmem:s30], [sflag:$0x4] =	stream.indirect_vreg.gather [hbm4b:s8+s4], $0x80, v4, vm0, $0xb8;
	[tilespmem:$0x18200] =	vst v63  }
0x2bf: {  	s18 =	simm.s32 $0x16200  }
0x2c0: {  	[tilespmem:s18], [sflag:$0x4] =	stream.indirect_vreg.gather [hbm4b:s9+s4], $0x80, v4, vm0, $0xb8;
	[tilespmem:$0x18200] =	vst v63  }
0x2c1: {  	s17 =	simm.s32 $0x16A00  }
0x2c2: {  	[tilespmem:s17], [sflag:$0x4] =	stream.indirect_vreg.gather [hbm4b:s2+s4], $0x80, v3, vm0, $0xb8;
	[tilespmem:$0x18200] =	vst v63  }
0x2c3: {  	s29 =	simm.s32 $0x17200  }
0x2c4: {  	[tilespmem:s29], [sflag:$0x4] =	stream.indirect_vreg.gather [hbm4b:s8+s4], $0x80, v3, vm0, $0xb8;
	[tilespmem:$0x18200] =	vst v63  }
0x2c5: {  	_ = 	snop  }
0x2c6: {  	[tilespmem:s31], [sflag:$0x4] =	stream.indirect_vreg.gather [hbm4b:s9+s4], $0x80, v3, vm0, $0xb8;
	[tilespmem:$0x18200] =	vst v63  }
0x2c7: {  	s12 =	simm.s32 $0x200;
	s30 =	rddreg [dreg:$0xd]  }
0x2c8: {  	[hbm4b:s30+s4] =	stream.linear.scatter [tilespmem:s12], [sflag:$0x5], $0x6000, $0x38;
	[tilespmem:$0x18200] =	vst v63  }
0x2c9: {  	_ =	swait.ge [sflag:s23], $0x6000  }
0x2ca: {  	[sflag:s23] =	ssyncset.done $0x0  }
0x2cb: {  	[sflag:s23] =	ssyncadd.s32 $0xFFFFA000  }
0x2cc: {  	_ =	swait.ge [sflag:s24], $0x6000  }
0x2cd: {  	[sflag:s24] =	ssyncset.done $0x0  }
0x2ce: {  	[sflag:s24] =	ssyncadd.s32 $0xFFFFA000  }
0x2cf: {  	_ =	swait.ge [sflag:s25], $0x6000  }
0x2d0: {  	p0 =	sne.s32 s10, $0x1;
	s0 =	simm.s32 $0x6200;
	[sflag:s25] =	ssyncset.done $0x0  }
.Ltmp0:
0x2d1: {  	s31 =	rddreg [dreg:$0xe];
	[sflag:s25] =	ssyncadd.s32 $0xFFFFA000;
	(pc) =	sbr.rel @p0 .LBB2_1-.Ltmp0, $4  }
0x2d2: {  	[hbm4b:s31+s4] =	stream.linear.scatter [tilespmem:s0], [sflag:$0x6], $0x6000, $0x38;
	[tilespmem:$0x18200] =	vst v63  }
0x2d3: {  	_ =	swait.ge [sflag:s26], $0x6000  }
0x2d4: {  	[sflag:s26] =	ssyncset.done $0x0  }
0x2d5: {  	s10 =	sadd.s32 $0xFFFFFFFF, s10;
	[sflag:s26] =	ssyncadd.s32 $0xFFFFA000  }
0x2d6: {  	_ =	sfence.sel $0x180000  }
0x2d7: {  	[bflag:$0x0] =	sbarrier.arrive $0xFFFF  }
0x2d8: {  	_ =	strace $0x90000047  }
0x2d9: {  	s0 =	stileid.u32;
	[bflag:$0x2] =	sbarrier.arrive $0xFFFF  }
0x2da: {  	p0 =	sne.s32 s0, $0x0;
	s0 =	rddreg [dreg:$0x5]  }
0x2db: {  	s0 =	sadd.s32 @!p0 $0x100000, s0  }
0x2dc: {  	[sflag:s0] =	ssyncadd.tile.s32 @!p0 $0x1;
	_ =	shalt  }
.Lfunc_end2:
_tile_overlayer_lowered:
.L_overlay_start_2:
0x2dd: {  	(tag) =	ssettag $0x2  }
0x2de: {  	s0 =	rddreg [dreg:$0x0];
	s2 =	stileid.u32  }
0x2df: {  	s1 =	rddreg [dreg:$0x1];
	p0 =	sne.s32 s2, $0x0  }
0x2e0: {  	s3 =	rddreg [dreg:$0x2];
	[bflag:$0x3] =	sbarrier.arrive $0xFFFF;
	s2 =	simm.s32 @!p0 $0x1C07  }
0x2e1: {  	[timem:s3], [sflag:s2] =	dma.local @!p0 [hbm:s0], s1  }
0x2e2: {  	s0 =	simm.s32 @!p0 $0x7  }
0x2e3: {  	_ =	swait.ge @!p0 [sflag:s0], s1  }
0x2e4: {  	s1 =	ssub.s32 @!p0 $0x0, s1;
	[sflag:s0] =	ssyncset.done @!p0 $0x0  }
0x2e5: {  	[sflag:s0] =	ssyncadd.s32 @!p0 s1  }
0x2e6: {  	[bflag:$0x3] =	sbarrier.arrive $0xFFFF  }
0x2e7: {  	_ =	shalt  }

</sc_bundles>
